<compile_context>
chip_gen: v7x
topology: tpu7x:2x2x1
jax: 0.10.2.dev20260603
libtpu: 0.0.44.dev20260713+nightly
codegen_flags: <defaults>
</compile_context>

<pallas_src>
import functools

import jax
import jax.numpy as jnp
from jax import lax
from jax.experimental import pallas as pl
from jax.experimental.pallas import tpu as pltpu
from jax.experimental.pallas import tpu_sc as plsc

EMBED = 64
LANES = 16
NCORES = 2
NSUB = 16
NWORKERS = NCORES * NSUB
IDX_CHUNK = 128

_PARAMS = pltpu.CompilerParams(needs_layout_passes=False,
                               use_tc_tiling_on_sc=False)


def _gather_body(bpw, nchunk, tid_hbm, table, rows_hbm, idx, rows_v, sem):
    wid = lax.axis_index("s") * NCORES + lax.axis_index("c")
    base = wid * bpw
    for j in range(nchunk):
        pltpu.sync_copy(tid_hbm.at[pl.ds(base + j * IDX_CHUNK, IDX_CHUNK)],
                        idx.at[j])
    copies = []
    for j in range(nchunk):
        copies.append(pltpu.async_copy(
            table.at[idx.at[j]],
            rows_v.at[pl.ds(j * IDX_CHUNK, IDX_CHUNK)], sem))
    for cp in copies:
        cp.wait()
    pltpu.sync_copy(rows_v, rows_hbm.at[pl.ds(base, bpw), :])


def _make_gather(batch, mesh, bpw, nchunk):
    return pl.kernel(
        functools.partial(_gather_body, bpw, nchunk),
        out_type=jax.ShapeDtypeStruct((batch, EMBED), jnp.float32),
        mesh=mesh,
        scratch_types=[
            pltpu.VMEM((nchunk, IDX_CHUNK), jnp.int32),
            pltpu.VMEM((bpw, EMBED), jnp.float32),
            pltpu.SemaphoreType.DMA,
        ],
        compiler_params=_PARAMS,
    )


def kernel(target_ids, context_ids, in_embed, out_embed):
    batch = target_ids.shape[0]
    bpw = batch // NWORKERS
    nchunk = bpw // IDX_CHUNK
    mesh = plsc.VectorSubcoreMesh(core_axis_name="c", subcore_axis_name="s")
    g1 = _make_gather(batch, mesh, bpw, nchunk)
    g2 = _make_gather(batch, mesh, bpw, nchunk)
    rows_in = g1(target_ids.astype(jnp.int32), in_embed)
    rows_out = g2(context_ids.astype(jnp.int32), out_embed)
    return jnp.sum(rows_in * rows_out, axis=1)

# --- scband reference (transcript-rebuilt; emitter-appended) ---
"""Pipeline reference for scband-word2-vec-model-38929583571454 (READ-ONLY COPY).

The authoritative reference and input builder live on the scoring server;
editing this copy changes nothing except your own understanding.
"""

import jax, jax.numpy as jnp
import numpy as np

VOCAB = 1000000
EMBED = 64
BATCH = 16384

def setup_inputs(seed: int = 0) -> dict:
    key = jax.random.key(seed)
    k1, k2, k3, k4 = jax.random.split(key, 4)
    target_ids = jax.random.randint(k1, (BATCH,), 0, VOCAB, dtype=jnp.int64 if jax.config.jax_enable_x64 else jnp.int32)
    context_ids = jax.random.randint(k2, (BATCH,), 0, VOCAB, dtype=jnp.int64 if jax.config.jax_enable_x64 else jnp.int32)
    in_embed = jax.random.uniform(k3, (VOCAB, EMBED), dtype=jnp.float32, minval=-0.1, maxval=0.1)
    out_embed = jax.random.uniform(k4, (VOCAB, EMBED), dtype=jnp.float32, minval=-0.1, maxval=0.1)
    return {"target_ids": target_ids, "context_ids": context_ids, "in_embed": in_embed, "out_embed": out_embed}

def reference(target_ids, context_ids, in_embed, out_embed):
    in_vecs = jnp.take(in_embed, target_ids, axis=0)
    out_vecs = jnp.take(out_embed, context_ids, axis=0)
    return jnp.sum(in_vecs * out_vecs, axis=1)

if __name__ == "__main__":
    import jax
    _d = setup_inputs()
    print(jax.jit(kernel)(*tuple(_d.values())))

</pallas_src>

<mosaic_0001>
#map = affine_map<(d0, d1) -> (0)>
#map1 = affine_map<(d0, d1) -> (0, 0)>
module attributes {stable_mosaic.version = 14 : i64} {
  func.func @_gather_body(%arg0: i32, %arg1: i32, %arg2: memref<16384xi32, #tpu.memory_space<hbm>>, %arg3: memref<1000000x64xf32, #tpu.memory_space<hbm>>, %arg4: memref<16384x64xf32, #tpu.memory_space<hbm>>, %arg5: memref<4x128xi32, #tpu.memory_space<vmem>>, %arg6: memref<512x64xf32, #tpu.memory_space<vmem>>, %arg7: memref<!tpu.dma_semaphore, #tpu.memory_space<semaphore_mem>>) attributes {dimension_semantics = [#tpu.dimension_semantics<core_parallel>, #tpu.dimension_semantics<subcore_parallel>], iteration_bounds = array<i64: 2, 16>, scalar_prefetch = 0 : i64, scratch_operands = 3 : i64, tpu.core_type = #tpu.core_type<sc_vector_subcore>, window_params = [{transform_indices = #map}, {transform_indices = #map1}, {transform_indices = #map1}]} {
    %mul3A = arith.constant 2 : i32
    %mul3A_0 = arith.muli %arg1, %mul3A : i32
    %add3A = arith.addi %mul3A_0, %arg0 : i32
    %mul3A_1 = arith.constant 512 : i32
    %mul3A_2 = arith.muli %add3A, %mul3A_1 : i32
    %add3A_3 = arith.constant 0 : i32
    %add3A_4 = arith.addi %mul3A_2, %add3A_3 : i32
    %run_scoped3A = arith.constant 0 : i32
    "tpu.region"() ({
      %run_scoped3A_92 = tpu.sem_alloc : memref<!tpu.dma_semaphore, #tpu.memory_space<semaphore_mem>>
      %dma_start3A_93 = arith.constant 0 : i32
      %dma_start3A_94 = tpu.memref_slice %arg5[%run_scoped3A, %dma_start3A_93] : memref<4x128xi32, #tpu.memory_space<vmem>> -> memref<1x128xi32, #tpu.memory_space<vmem>>
      %dma_start3A_95 = tpu.memref_squeeze %dma_start3A_94 : memref<1x128xi32, #tpu.memory_space<vmem>> -> memref<128xi32, #tpu.memory_space<vmem>>
      %dma_start3A_96 = tpu.memref_slice %arg2[%add3A_4] : memref<16384xi32, #tpu.memory_space<hbm>> -> memref<128xi32, #tpu.memory_space<hbm>>
      %dma_start3A_97 = arith.constant 0 : i32
      %dma_start3A_98 = tpu.memref_slice %arg5[%run_scoped3A, %dma_start3A_97] : memref<4x128xi32, #tpu.memory_space<vmem>> -> memref<1x128xi32, #tpu.memory_space<vmem>>
      %dma_start3A_99 = tpu.memref_squeeze %dma_start3A_98 : memref<1x128xi32, #tpu.memory_space<vmem>> -> memref<128xi32, #tpu.memory_space<vmem>>
      %dma_start3A_100 = tpu.memref_slice %arg2[%add3A_4] : memref<16384xi32, #tpu.memory_space<hbm>> -> memref<128xi32, #tpu.memory_space<hbm>>
      tpu.enqueue_dma source(%dma_start3A_100 : memref<128xi32, #tpu.memory_space<hbm>>) target(%dma_start3A_99 : memref<128xi32, #tpu.memory_space<vmem>>) target_semaphore(%run_scoped3A_92 : memref<!tpu.dma_semaphore, #tpu.memory_space<semaphore_mem>>)
      %dma_wait3A_101 = arith.constant 0 : i32
      %dma_wait3A_102 = tpu.memref_slice %arg5[%run_scoped3A, %dma_wait3A_101] : memref<4x128xi32, #tpu.memory_space<vmem>> -> memref<1x128xi32, #tpu.memory_space<vmem>>
      %dma_wait3A_103 = tpu.memref_squeeze %dma_wait3A_102 : memref<1x128xi32, #tpu.memory_space<vmem>> -> memref<128xi32, #tpu.memory_space<vmem>>
      %dma_wait3A_104 = tpu.memref_slice %arg2[%add3A_4] : memref<16384xi32, #tpu.memory_space<hbm>> -> memref<128xi32, #tpu.memory_space<hbm>>
      %dma_wait3A_105 = arith.constant 0 : i32
      %dma_wait3A_106 = tpu.memref_slice %arg5[%run_scoped3A, %dma_wait3A_105] : memref<4x128xi32, #tpu.memory_space<vmem>> -> memref<1x128xi32, #tpu.memory_space<vmem>>
      %dma_wait3A_107 = tpu.memref_squeeze %dma_wait3A_106 : memref<1x128xi32, #tpu.memory_space<vmem>> -> memref<128xi32, #tpu.memory_space<vmem>>
      %dma_wait3A_108 = tpu.memref_slice %arg2[%add3A_4] : memref<16384xi32, #tpu.memory_space<hbm>> -> memref<128xi32, #tpu.memory_space<hbm>>
      tpu.wait_dma2 semaphore(%run_scoped3A_92 : memref<!tpu.dma_semaphore, #tpu.memory_space<semaphore_mem>>) src(%dma_wait3A_108 : memref<128xi32, #tpu.memory_space<hbm>>) dst(%dma_wait3A_107 : memref<128xi32, #tpu.memory_space<vmem>>)
      tpu.yield
    }) : () -> ()
    %add3A_5 = arith.constant 128 : i32
    %add3A_6 = arith.addi %mul3A_2, %add3A_5 : i32
    %run_scoped3A_7 = arith.constant 1 : i32
    "tpu.region"() ({
      %run_scoped3A_92 = tpu.sem_alloc : memref<!tpu.dma_semaphore, #tpu.memory_space<semaphore_mem>>
      %dma_start3A_93 = arith.constant 0 : i32
      %dma_start3A_94 = tpu.memref_slice %arg5[%run_scoped3A_7, %dma_start3A_93] : memref<4x128xi32, #tpu.memory_space<vmem>> -> memref<1x128xi32, #tpu.memory_space<vmem>>
      %dma_start3A_95 = tpu.memref_squeeze %dma_start3A_94 : memref<1x128xi32, #tpu.memory_space<vmem>> -> memref<128xi32, #tpu.memory_space<vmem>>
      %dma_start3A_96 = tpu.memref_slice %arg2[%add3A_6] : memref<16384xi32, #tpu.memory_space<hbm>> -> memref<128xi32, #tpu.memory_space<hbm>>
      %dma_start3A_97 = arith.constant 0 : i32
      %dma_start3A_98 = tpu.memref_slice %arg5[%run_scoped3A_7, %dma_start3A_97] : memref<4x128xi32, #tpu.memory_space<vmem>> -> memref<1x128xi32, #tpu.memory_space<vmem>>
      %dma_start3A_99 = tpu.memref_squeeze %dma_start3A_98 : memref<1x128xi32, #tpu.memory_space<vmem>> -> memref<128xi32, #tpu.memory_space<vmem>>
      %dma_start3A_100 = tpu.memref_slice %arg2[%add3A_6] : memref<16384xi32, #tpu.memory_space<hbm>> -> memref<128xi32, #tpu.memory_space<hbm>>
      tpu.enqueue_dma source(%dma_start3A_100 : memref<128xi32, #tpu.memory_space<hbm>>) target(%dma_start3A_99 : memref<128xi32, #tpu.memory_space<vmem>>) target_semaphore(%run_scoped3A_92 : memref<!tpu.dma_semaphore, #tpu.memory_space<semaphore_mem>>)
      %dma_wait3A_101 = arith.constant 0 : i32
      %dma_wait3A_102 = tpu.memref_slice %arg5[%run_scoped3A_7, %dma_wait3A_101] : memref<4x128xi32, #tpu.memory_space<vmem>> -> memref<1x128xi32, #tpu.memory_space<vmem>>
      %dma_wait3A_103 = tpu.memref_squeeze %dma_wait3A_102 : memref<1x128xi32, #tpu.memory_space<vmem>> -> memref<128xi32, #tpu.memory_space<vmem>>
      %dma_wait3A_104 = tpu.memref_slice %arg2[%add3A_6] : memref<16384xi32, #tpu.memory_space<hbm>> -> memref<128xi32, #tpu.memory_space<hbm>>
      %dma_wait3A_105 = arith.constant 0 : i32
      %dma_wait3A_106 = tpu.memref_slice %arg5[%run_scoped3A_7, %dma_wait3A_105] : memref<4x128xi32, #tpu.memory_space<vmem>> -> memref<1x128xi32, #tpu.memory_space<vmem>>
      %dma_wait3A_107 = tpu.memref_squeeze %dma_wait3A_106 : memref<1x128xi32, #tpu.memory_space<vmem>> -> memref<128xi32, #tpu.memory_space<vmem>>
      %dma_wait3A_108 = tpu.memref_slice %arg2[%add3A_6] : memref<16384xi32, #tpu.memory_space<hbm>> -> memref<128xi32, #tpu.memory_space<hbm>>
      tpu.wait_dma2 semaphore(%run_scoped3A_92 : memref<!tpu.dma_semaphore, #tpu.memory_space<semaphore_mem>>) src(%dma_wait3A_108 : memref<128xi32, #tpu.memory_space<hbm>>) dst(%dma_wait3A_107 : memref<128xi32, #tpu.memory_space<vmem>>)
      tpu.yield
    }) : () -> ()
    %add3A_8 = arith.constant 256 : i32
    %add3A_9 = arith.addi %mul3A_2, %add3A_8 : i32
    %run_scoped3A_10 = arith.constant 2 : i32
    "tpu.region"() ({
      %run_scoped3A_92 = tpu.sem_alloc : memref<!tpu.dma_semaphore, #tpu.memory_space<semaphore_mem>>
      %dma_start3A_93 = arith.constant 0 : i32
      %dma_start3A_94 = tpu.memref_slice %arg5[%run_scoped3A_10, %dma_start3A_93] : memref<4x128xi32, #tpu.memory_space<vmem>> -> memref<1x128xi32, #tpu.memory_space<vmem>>
      %dma_start3A_95 = tpu.memref_squeeze %dma_start3A_94 : memref<1x128xi32, #tpu.memory_space<vmem>> -> memref<128xi32, #tpu.memory_space<vmem>>
      %dma_start3A_96 = tpu.memref_slice %arg2[%add3A_9] : memref<16384xi32, #tpu.memory_space<hbm>> -> memref<128xi32, #tpu.memory_space<hbm>>
      %dma_start3A_97 = arith.constant 0 : i32
      %dma_start3A_98 = tpu.memref_slice %arg5[%run_scoped3A_10, %dma_start3A_97] : memref<4x128xi32, #tpu.memory_space<vmem>> -> memref<1x128xi32, #tpu.memory_space<vmem>>
      %dma_start3A_99 = tpu.memref_squeeze %dma_start3A_98 : memref<1x128xi32, #tpu.memory_space<vmem>> -> memref<128xi32, #tpu.memory_space<vmem>>
      %dma_start3A_100 = tpu.memref_slice %arg2[%add3A_9] : memref<16384xi32, #tpu.memory_space<hbm>> -> memref<128xi32, #tpu.memory_space<hbm>>
      tpu.enqueue_dma source(%dma_start3A_100 : memref<128xi32, #tpu.memory_space<hbm>>) target(%dma_start3A_99 : memref<128xi32, #tpu.memory_space<vmem>>) target_semaphore(%run_scoped3A_92 : memref<!tpu.dma_semaphore, #tpu.memory_space<semaphore_mem>>)
      %dma_wait3A_101 = arith.constant 0 : i32
      %dma_wait3A_102 = tpu.memref_slice %arg5[%run_scoped3A_10, %dma_wait3A_101] : memref<4x128xi32, #tpu.memory_space<vmem>> -> memref<1x128xi32, #tpu.memory_space<vmem>>
      %dma_wait3A_103 = tpu.memref_squeeze %dma_wait3A_102 : memref<1x128xi32, #tpu.memory_space<vmem>> -> memref<128xi32, #tpu.memory_space<vmem>>
      %dma_wait3A_104 = tpu.memref_slice %arg2[%add3A_9] : memref<16384xi32, #tpu.memory_space<hbm>> -> memref<128xi32, #tpu.memory_space<hbm>>
      %dma_wait3A_105 = arith.constant 0 : i32
      %dma_wait3A_106 = tpu.memref_slice %arg5[%run_scoped3A_10, %dma_wait3A_105] : memref<4x128xi32, #tpu.memory_space<vmem>> -> memref<1x128xi32, #tpu.memory_space<vmem>>
      %dma_wait3A_107 = tpu.memref_squeeze %dma_wait3A_106 : memref<1x128xi32, #tpu.memory_space<vmem>> -> memref<128xi32, #tpu.memory_space<vmem>>
      %dma_wait3A_108 = tpu.memref_slice %arg2[%add3A_9] : memref<16384xi32, #tpu.memory_space<hbm>> -> memref<128xi32, #tpu.memory_space<hbm>>
      tpu.wait_dma2 semaphore(%run_scoped3A_92 : memref<!tpu.dma_semaphore, #tpu.memory_space<semaphore_mem>>) src(%dma_wait3A_108 : memref<128xi32, #tpu.memory_space<hbm>>) dst(%dma_wait3A_107 : memref<128xi32, #tpu.memory_space<vmem>>)
      tpu.yield
    }) : () -> ()
    %add3A_11 = arith.constant 384 : i32
    %add3A_12 = arith.addi %mul3A_2, %add3A_11 : i32
    %run_scoped3A_13 = arith.constant 3 : i32
    "tpu.region"() ({
      %run_scoped3A_92 = tpu.sem_alloc : memref<!tpu.dma_semaphore, #tpu.memory_space<semaphore_mem>>
      %dma_start3A_93 = arith.constant 0 : i32
      %dma_start3A_94 = tpu.memref_slice %arg5[%run_scoped3A_13, %dma_start3A_93] : memref<4x128xi32, #tpu.memory_space<vmem>> -> memref<1x128xi32, #tpu.memory_space<vmem>>
      %dma_start3A_95 = tpu.memref_squeeze %dma_start3A_94 : memref<1x128xi32, #tpu.memory_space<vmem>> -> memref<128xi32, #tpu.memory_space<vmem>>
      %dma_start3A_96 = tpu.memref_slice %arg2[%add3A_12] : memref<16384xi32, #tpu.memory_space<hbm>> -> memref<128xi32, #tpu.memory_space<hbm>>
      %dma_start3A_97 = arith.constant 0 : i32
      %dma_start3A_98 = tpu.memref_slice %arg5[%run_scoped3A_13, %dma_start3A_97] : memref<4x128xi32, #tpu.memory_space<vmem>> -> memref<1x128xi32, #tpu.memory_space<vmem>>
      %dma_start3A_99 = tpu.memref_squeeze %dma_start3A_98 : memref<1x128xi32, #tpu.memory_space<vmem>> -> memref<128xi32, #tpu.memory_space<vmem>>
      %dma_start3A_100 = tpu.memref_slice %arg2[%add3A_12] : memref<16384xi32, #tpu.memory_space<hbm>> -> memref<128xi32, #tpu.memory_space<hbm>>
      tpu.enqueue_dma source(%dma_start3A_100 : memref<128xi32, #tpu.memory_space<hbm>>) target(%dma_start3A_99 : memref<128xi32, #tpu.memory_space<vmem>>) target_semaphore(%run_scoped3A_92 : memref<!tpu.dma_semaphore, #tpu.memory_space<semaphore_mem>>)
      %dma_wait3A_101 = arith.constant 0 : i32
      %dma_wait3A_102 = tpu.memref_slice %arg5[%run_scoped3A_13, %dma_wait3A_101] : memref<4x128xi32, #tpu.memory_space<vmem>> -> memref<1x128xi32, #tpu.memory_space<vmem>>
      %dma_wait3A_103 = tpu.memref_squeeze %dma_wait3A_102 : memref<1x128xi32, #tpu.memory_space<vmem>> -> memref<128xi32, #tpu.memory_space<vmem>>
      %dma_wait3A_104 = tpu.memref_slice %arg2[%add3A_12] : memref<16384xi32, #tpu.memory_space<hbm>> -> memref<128xi32, #tpu.memory_space<hbm>>
      %dma_wait3A_105 = arith.constant 0 : i32
      %dma_wait3A_106 = tpu.memref_slice %arg5[%run_scoped3A_13, %dma_wait3A_105] : memref<4x128xi32, #tpu.memory_space<vmem>> -> memref<1x128xi32, #tpu.memory_space<vmem>>
      %dma_wait3A_107 = tpu.memref_squeeze %dma_wait3A_106 : memref<1x128xi32, #tpu.memory_space<vmem>> -> memref<128xi32, #tpu.memory_space<vmem>>
      %dma_wait3A_108 = tpu.memref_slice %arg2[%add3A_12] : memref<16384xi32, #tpu.memory_space<hbm>> -> memref<128xi32, #tpu.memory_space<hbm>>
      tpu.wait_dma2 semaphore(%run_scoped3A_92 : memref<!tpu.dma_semaphore, #tpu.memory_space<semaphore_mem>>) src(%dma_wait3A_108 : memref<128xi32, #tpu.memory_space<hbm>>) dst(%dma_wait3A_107 : memref<128xi32, #tpu.memory_space<vmem>>)
      tpu.yield
    }) : () -> ()
    %dma_start3A = arith.constant 0 : i32
    %dma_start3A_14 = arith.constant 0 : i32
    %dma_start3A_15 = arith.constant 0 : i32
    %dma_start3A_16 = tpu.memref_slice %arg6[%dma_start3A_14, %dma_start3A_15] : memref<512x64xf32, #tpu.memory_space<vmem>> -> memref<128x64xf32, #tpu.memory_space<vmem>>
    %dma_start3A_17 = arith.constant 0 : i32
    %dma_start3A_18 = tpu.memref_slice %arg5[%dma_start3A, %dma_start3A_17] : memref<4x128xi32, #tpu.memory_space<vmem>> -> memref<1x128xi32, #tpu.memory_space<vmem>>
    %dma_start3A_19 = tpu.memref_squeeze %dma_start3A_18 : memref<1x128xi32, #tpu.memory_space<vmem>> -> memref<128xi32, #tpu.memory_space<vmem>>
    %dma_start3A_20 = arith.constant 0 : i32
    %dma_start3A_21 = arith.constant 0 : i32
    %dma_start3A_22 = tpu.memref_slice %arg3[%dma_start3A_20, %dma_start3A_21] : memref<1000000x64xf32, #tpu.memory_space<hbm>> -> memref<1000000x64xf32, #tpu.memory_space<hbm>>
    tpu.enqueue_indirect_dma source(%dma_start3A_22 : memref<1000000x64xf32, #tpu.memory_space<hbm>>) target(%dma_start3A_16 : memref<128x64xf32, #tpu.memory_space<vmem>>) offsets(%dma_start3A_19 : memref<128xi32, #tpu.memory_space<vmem>>) semaphore(%arg7 : memref<!tpu.dma_semaphore, #tpu.memory_space<semaphore_mem>>)
    %dma_start3A_23 = arith.constant 1 : i32
    %dma_start3A_24 = arith.constant 128 : i32
    %dma_start3A_25 = arith.constant 0 : i32
    %dma_start3A_26 = tpu.memref_slice %arg6[%dma_start3A_24, %dma_start3A_25] : memref<512x64xf32, #tpu.memory_space<vmem>> -> memref<128x64xf32, #tpu.memory_space<vmem>>
    %dma_start3A_27 = arith.constant 0 : i32
    %dma_start3A_28 = tpu.memref_slice %arg5[%dma_start3A_23, %dma_start3A_27] : memref<4x128xi32, #tpu.memory_space<vmem>> -> memref<1x128xi32, #tpu.memory_space<vmem>>
    %dma_start3A_29 = tpu.memref_squeeze %dma_start3A_28 : memref<1x128xi32, #tpu.memory_space<vmem>> -> memref<128xi32, #tpu.memory_space<vmem>>
    %dma_start3A_30 = arith.constant 0 : i32
    %dma_start3A_31 = arith.constant 0 : i32
    %dma_start3A_32 = tpu.memref_slice %arg3[%dma_start3A_30, %dma_start3A_31] : memref<1000000x64xf32, #tpu.memory_space<hbm>> -> memref<1000000x64xf32, #tpu.memory_space<hbm>>
    tpu.enqueue_indirect_dma source(%dma_start3A_32 : memref<1000000x64xf32, #tpu.memory_space<hbm>>) target(%dma_start3A_26 : memref<128x64xf32, #tpu.memory_space<vmem>>) offsets(%dma_start3A_29 : memref<128xi32, #tpu.memory_space<vmem>>) semaphore(%arg7 : memref<!tpu.dma_semaphore, #tpu.memory_space<semaphore_mem>>)
    %dma_start3A_33 = arith.constant 2 : i32
    %dma_start3A_34 = arith.constant 256 : i32
    %dma_start3A_35 = arith.constant 0 : i32
    %dma_start3A_36 = tpu.memref_slice %arg6[%dma_start3A_34, %dma_start3A_35] : memref<512x64xf32, #tpu.memory_space<vmem>> -> memref<128x64xf32, #tpu.memory_space<vmem>>
    %dma_start3A_37 = arith.constant 0 : i32
    %dma_start3A_38 = tpu.memref_slice %arg5[%dma_start3A_33, %dma_start3A_37] : memref<4x128xi32, #tpu.memory_space<vmem>> -> memref<1x128xi32, #tpu.memory_space<vmem>>
    %dma_start3A_39 = tpu.memref_squeeze %dma_start3A_38 : memref<1x128xi32, #tpu.memory_space<vmem>> -> memref<128xi32, #tpu.memory_space<vmem>>
    %dma_start3A_40 = arith.constant 0 : i32
    %dma_start3A_41 = arith.constant 0 : i32
    %dma_start3A_42 = tpu.memref_slice %arg3[%dma_start3A_40, %dma_start3A_41] : memref<1000000x64xf32, #tpu.memory_space<hbm>> -> memref<1000000x64xf32, #tpu.memory_space<hbm>>
    tpu.enqueue_indirect_dma source(%dma_start3A_42 : memref<1000000x64xf32, #tpu.memory_space<hbm>>) target(%dma_start3A_36 : memref<128x64xf32, #tpu.memory_space<vmem>>) offsets(%dma_start3A_39 : memref<128xi32, #tpu.memory_space<vmem>>) semaphore(%arg7 : memref<!tpu.dma_semaphore, #tpu.memory_space<semaphore_mem>>)
    %dma_start3A_43 = arith.constant 3 : i32
    %dma_start3A_44 = arith.constant 384 : i32
    %dma_start3A_45 = arith.constant 0 : i32
    %dma_start3A_46 = tpu.memref_slice %arg6[%dma_start3A_44, %dma_start3A_45] : memref<512x64xf32, #tpu.memory_space<vmem>> -> memref<128x64xf32, #tpu.memory_space<vmem>>
    %dma_start3A_47 = arith.constant 0 : i32
    %dma_start3A_48 = tpu.memref_slice %arg5[%dma_start3A_43, %dma_start3A_47] : memref<4x128xi32, #tpu.memory_space<vmem>> -> memref<1x128xi32, #tpu.memory_space<vmem>>
    %dma_start3A_49 = tpu.memref_squeeze %dma_start3A_48 : memref<1x128xi32, #tpu.memory_space<vmem>> -> memref<128xi32, #tpu.memory_space<vmem>>
    %dma_start3A_50 = arith.constant 0 : i32
    %dma_start3A_51 = arith.constant 0 : i32
    %dma_start3A_52 = tpu.memref_slice %arg3[%dma_start3A_50, %dma_start3A_51] : memref<1000000x64xf32, #tpu.memory_space<hbm>> -> memref<1000000x64xf32, #tpu.memory_space<hbm>>
    tpu.enqueue_indirect_dma source(%dma_start3A_52 : memref<1000000x64xf32, #tpu.memory_space<hbm>>) target(%dma_start3A_46 : memref<128x64xf32, #tpu.memory_space<vmem>>) offsets(%dma_start3A_49 : memref<128xi32, #tpu.memory_space<vmem>>) semaphore(%arg7 : memref<!tpu.dma_semaphore, #tpu.memory_space<semaphore_mem>>)
    %dma_wait3A = arith.constant 0 : i32
    %dma_wait3A_53 = arith.constant 0 : i32
    %dma_wait3A_54 = arith.constant 0 : i32
    %dma_wait3A_55 = tpu.memref_slice %arg6[%dma_wait3A_53, %dma_wait3A_54] : memref<512x64xf32, #tpu.memory_space<vmem>> -> memref<128x64xf32, #tpu.memory_space<vmem>>
    %dma_wait3A_56 = arith.constant 0 : i32
    %dma_wait3A_57 = tpu.memref_slice %arg5[%dma_wait3A, %dma_wait3A_56] : memref<4x128xi32, #tpu.memory_space<vmem>> -> memref<1x128xi32, #tpu.memory_space<vmem>>
    %dma_wait3A_58 = tpu.memref_squeeze %dma_wait3A_57 : memref<1x128xi32, #tpu.memory_space<vmem>> -> memref<128xi32, #tpu.memory_space<vmem>>
    %dma_wait3A_59 = arith.constant 0 : i32
    %dma_wait3A_60 = arith.constant 0 : i32
    %dma_wait3A_61 = tpu.memref_slice %arg3[%dma_wait3A_59, %dma_wait3A_60] : memref<1000000x64xf32, #tpu.memory_space<hbm>> -> memref<1000000x64xf32, #tpu.memory_space<hbm>>
    tpu.wait_indirect_dma semaphore(%arg7 : memref<!tpu.dma_semaphore, #tpu.memory_space<semaphore_mem>>) src(%dma_wait3A_61 : memref<1000000x64xf32, #tpu.memory_space<hbm>>) dst(%dma_wait3A_55 : memref<128x64xf32, #tpu.memory_space<vmem>>)
    %dma_wait3A_62 = arith.constant 1 : i32
    %dma_wait3A_63 = arith.constant 128 : i32
    %dma_wait3A_64 = arith.constant 0 : i32
    %dma_wait3A_65 = tpu.memref_slice %arg6[%dma_wait3A_63, %dma_wait3A_64] : memref<512x64xf32, #tpu.memory_space<vmem>> -> memref<128x64xf32, #tpu.memory_space<vmem>>
    %dma_wait3A_66 = arith.constant 0 : i32
    %dma_wait3A_67 = tpu.memref_slice %arg5[%dma_wait3A_62, %dma_wait3A_66] : memref<4x128xi32, #tpu.memory_space<vmem>> -> memref<1x128xi32, #tpu.memory_space<vmem>>
    %dma_wait3A_68 = tpu.memref_squeeze %dma_wait3A_67 : memref<1x128xi32, #tpu.memory_space<vmem>> -> memref<128xi32, #tpu.memory_space<vmem>>
    %dma_wait3A_69 = arith.constant 0 : i32
    %dma_wait3A_70 = arith.constant 0 : i32
    %dma_wait3A_71 = tpu.memref_slice %arg3[%dma_wait3A_69, %dma_wait3A_70] : memref<1000000x64xf32, #tpu.memory_space<hbm>> -> memref<1000000x64xf32, #tpu.memory_space<hbm>>
    tpu.wait_indirect_dma semaphore(%arg7 : memref<!tpu.dma_semaphore, #tpu.memory_space<semaphore_mem>>) src(%dma_wait3A_71 : memref<1000000x64xf32, #tpu.memory_space<hbm>>) dst(%dma_wait3A_65 : memref<128x64xf32, #tpu.memory_space<vmem>>)
    %dma_wait3A_72 = arith.constant 2 : i32
    %dma_wait3A_73 = arith.constant 256 : i32
    %dma_wait3A_74 = arith.constant 0 : i32
    %dma_wait3A_75 = tpu.memref_slice %arg6[%dma_wait3A_73, %dma_wait3A_74] : memref<512x64xf32, #tpu.memory_space<vmem>> -> memref<128x64xf32, #tpu.memory_space<vmem>>
    %dma_wait3A_76 = arith.constant 0 : i32
    %dma_wait3A_77 = tpu.memref_slice %arg5[%dma_wait3A_72, %dma_wait3A_76] : memref<4x128xi32, #tpu.memory_space<vmem>> -> memref<1x128xi32, #tpu.memory_space<vmem>>
    %dma_wait3A_78 = tpu.memref_squeeze %dma_wait3A_77 : memref<1x128xi32, #tpu.memory_space<vmem>> -> memref<128xi32, #tpu.memory_space<vmem>>
    %dma_wait3A_79 = arith.constant 0 : i32
    %dma_wait3A_80 = arith.constant 0 : i32
    %dma_wait3A_81 = tpu.memref_slice %arg3[%dma_wait3A_79, %dma_wait3A_80] : memref<1000000x64xf32, #tpu.memory_space<hbm>> -> memref<1000000x64xf32, #tpu.memory_space<hbm>>
    tpu.wait_indirect_dma semaphore(%arg7 : memref<!tpu.dma_semaphore, #tpu.memory_space<semaphore_mem>>) src(%dma_wait3A_81 : memref<1000000x64xf32, #tpu.memory_space<hbm>>) dst(%dma_wait3A_75 : memref<128x64xf32, #tpu.memory_space<vmem>>)
    %dma_wait3A_82 = arith.constant 3 : i32
    %dma_wait3A_83 = arith.constant 384 : i32
    %dma_wait3A_84 = arith.constant 0 : i32
    %dma_wait3A_85 = tpu.memref_slice %arg6[%dma_wait3A_83, %dma_wait3A_84] : memref<512x64xf32, #tpu.memory_space<vmem>> -> memref<128x64xf32, #tpu.memory_space<vmem>>
    %dma_wait3A_86 = arith.constant 0 : i32
    %dma_wait3A_87 = tpu.memref_slice %arg5[%dma_wait3A_82, %dma_wait3A_86] : memref<4x128xi32, #tpu.memory_space<vmem>> -> memref<1x128xi32, #tpu.memory_space<vmem>>
    %dma_wait3A_88 = tpu.memref_squeeze %dma_wait3A_87 : memref<1x128xi32, #tpu.memory_space<vmem>> -> memref<128xi32, #tpu.memory_space<vmem>>
    %dma_wait3A_89 = arith.constant 0 : i32
    %dma_wait3A_90 = arith.constant 0 : i32
    %dma_wait3A_91 = tpu.memref_slice %arg3[%dma_wait3A_89, %dma_wait3A_90] : memref<1000000x64xf32, #tpu.memory_space<hbm>> -> memref<1000000x64xf32, #tpu.memory_space<hbm>>
    tpu.wait_indirect_dma semaphore(%arg7 : memref<!tpu.dma_semaphore, #tpu.memory_space<semaphore_mem>>) src(%dma_wait3A_91 : memref<1000000x64xf32, #tpu.memory_space<hbm>>) dst(%dma_wait3A_85 : memref<128x64xf32, #tpu.memory_space<vmem>>)
    "tpu.region"() ({
      %run_scoped3A_92 = tpu.sem_alloc : memref<!tpu.dma_semaphore, #tpu.memory_space<semaphore_mem>>
      %dma_start3A_93 = arith.constant 0 : i32
      %dma_start3A_94 = tpu.memref_slice %arg4[%mul3A_2, %dma_start3A_93] : memref<16384x64xf32, #tpu.memory_space<hbm>> -> memref<512x64xf32, #tpu.memory_space<hbm>>
      %dma_start3A_95 = arith.constant 0 : i32
      %dma_start3A_96 = tpu.memref_slice %arg4[%mul3A_2, %dma_start3A_95] : memref<16384x64xf32, #tpu.memory_space<hbm>> -> memref<512x64xf32, #tpu.memory_space<hbm>>
      tpu.enqueue_dma source(%arg6 : memref<512x64xf32, #tpu.memory_space<vmem>>) target(%dma_start3A_96 : memref<512x64xf32, #tpu.memory_space<hbm>>) target_semaphore(%run_scoped3A_92 : memref<!tpu.dma_semaphore, #tpu.memory_space<semaphore_mem>>)
      %dma_wait3A_97 = arith.constant 0 : i32
      %dma_wait3A_98 = tpu.memref_slice %arg4[%mul3A_2, %dma_wait3A_97] : memref<16384x64xf32, #tpu.memory_space<hbm>> -> memref<512x64xf32, #tpu.memory_space<hbm>>
      %dma_wait3A_99 = arith.constant 0 : i32
      %dma_wait3A_100 = tpu.memref_slice %arg4[%mul3A_2, %dma_wait3A_99] : memref<16384x64xf32, #tpu.memory_space<hbm>> -> memref<512x64xf32, #tpu.memory_space<hbm>>
      tpu.wait_dma2 semaphore(%run_scoped3A_92 : memref<!tpu.dma_semaphore, #tpu.memory_space<semaphore_mem>>) src(%arg6 : memref<512x64xf32, #tpu.memory_space<vmem>>) dst(%dma_wait3A_100 : memref<512x64xf32, #tpu.memory_space<hbm>>)
      tpu.yield
    }) : () -> ()
    return
  }
}

#map = affine_map<(d0, d1) -> (0)>
#map1 = affine_map<(d0, d1) -> (0, 0)>
module attributes {stable_mosaic.version = 14 : i64} {
  func.func @_gather_body(%arg0: i32, %arg1: i32, %arg2: memref<16384xi32, #tpu.memory_space<hbm>>, %arg3: memref<1000000x64xf32, #tpu.memory_space<hbm>>, %arg4: memref<16384x64xf32, #tpu.memory_space<hbm>>, %arg5: memref<4x128xi32, #tpu.memory_space<vmem>>, %arg6: memref<512x64xf32, #tpu.memory_space<vmem>>, %arg7: memref<!tpu.dma_semaphore, #tpu.memory_space<semaphore_mem>>) attributes {dimension_semantics = [#tpu.dimension_semantics<core_parallel>, #tpu.dimension_semantics<subcore_parallel>], iteration_bounds = array<i64: 2, 16>, scalar_prefetch = 0 : i64, scratch_operands = 3 : i64, tpu.core_type = #tpu.core_type<sc_vector_subcore>, window_params = [{transform_indices = #map}, {transform_indices = #map1}, {transform_indices = #map1}]} {
    %mul3A = arith.constant 2 : i32
    %mul3A_0 = arith.muli %arg1, %mul3A : i32
    %add3A = arith.addi %mul3A_0, %arg0 : i32
    %mul3A_1 = arith.constant 512 : i32
    %mul3A_2 = arith.muli %add3A, %mul3A_1 : i32
    %add3A_3 = arith.constant 0 : i32
    %add3A_4 = arith.addi %mul3A_2, %add3A_3 : i32
    %run_scoped3A = arith.constant 0 : i32
    "tpu.region"() ({
      %run_scoped3A_92 = tpu.sem_alloc : memref<!tpu.dma_semaphore, #tpu.memory_space<semaphore_mem>>
      %dma_start3A_93 = arith.constant 0 : i32
      %dma_start3A_94 = tpu.memref_slice %arg5[%run_scoped3A, %dma_start3A_93] : memref<4x128xi32, #tpu.memory_space<vmem>> -> memref<1x128xi32, #tpu.memory_space<vmem>>
      %dma_start3A_95 = tpu.memref_squeeze %dma_start3A_94 : memref<1x128xi32, #tpu.memory_space<vmem>> -> memref<128xi32, #tpu.memory_space<vmem>>
      %dma_start3A_96 = tpu.memref_slice %arg2[%add3A_4] : memref<16384xi32, #tpu.memory_space<hbm>> -> memref<128xi32, #tpu.memory_space<hbm>>
      %dma_start3A_97 = arith.constant 0 : i32
      %dma_start3A_98 = tpu.memref_slice %arg5[%run_scoped3A, %dma_start3A_97] : memref<4x128xi32, #tpu.memory_space<vmem>> -> memref<1x128xi32, #tpu.memory_space<vmem>>
      %dma_start3A_99 = tpu.memref_squeeze %dma_start3A_98 : memref<1x128xi32, #tpu.memory_space<vmem>> -> memref<128xi32, #tpu.memory_space<vmem>>
      %dma_start3A_100 = tpu.memref_slice %arg2[%add3A_4] : memref<16384xi32, #tpu.memory_space<hbm>> -> memref<128xi32, #tpu.memory_space<hbm>>
      tpu.enqueue_dma source(%dma_start3A_100 : memref<128xi32, #tpu.memory_space<hbm>>) target(%dma_start3A_99 : memref<128xi32, #tpu.memory_space<vmem>>) target_semaphore(%run_scoped3A_92 : memref<!tpu.dma_semaphore, #tpu.memory_space<semaphore_mem>>)
      %dma_wait3A_101 = arith.constant 0 : i32
      %dma_wait3A_102 = tpu.memref_slice %arg5[%run_scoped3A, %dma_wait3A_101] : memref<4x128xi32, #tpu.memory_space<vmem>> -> memref<1x128xi32, #tpu.memory_space<vmem>>
      %dma_wait3A_103 = tpu.memref_squeeze %dma_wait3A_102 : memref<1x128xi32, #tpu.memory_space<vmem>> -> memref<128xi32, #tpu.memory_space<vmem>>
      %dma_wait3A_104 = tpu.memref_slice %arg2[%add3A_4] : memref<16384xi32, #tpu.memory_space<hbm>> -> memref<128xi32, #tpu.memory_space<hbm>>
      %dma_wait3A_105 = arith.constant 0 : i32
      %dma_wait3A_106 = tpu.memref_slice %arg5[%run_scoped3A, %dma_wait3A_105] : memref<4x128xi32, #tpu.memory_space<vmem>> -> memref<1x128xi32, #tpu.memory_space<vmem>>
      %dma_wait3A_107 = tpu.memref_squeeze %dma_wait3A_106 : memref<1x128xi32, #tpu.memory_space<vmem>> -> memref<128xi32, #tpu.memory_space<vmem>>
      %dma_wait3A_108 = tpu.memref_slice %arg2[%add3A_4] : memref<16384xi32, #tpu.memory_space<hbm>> -> memref<128xi32, #tpu.memory_space<hbm>>
      tpu.wait_dma2 semaphore(%run_scoped3A_92 : memref<!tpu.dma_semaphore, #tpu.memory_space<semaphore_mem>>) src(%dma_wait3A_108 : memref<128xi32, #tpu.memory_space<hbm>>) dst(%dma_wait3A_107 : memref<128xi32, #tpu.memory_space<vmem>>)
      tpu.yield
    }) : () -> ()
    %add3A_5 = arith.constant 128 : i32
    %add3A_6 = arith.addi %mul3A_2, %add3A_5 : i32
    %run_scoped3A_7 = arith.constant 1 : i32
    "tpu.region"() ({
      %run_scoped3A_92 = tpu.sem_alloc : memref<!tpu.dma_semaphore, #tpu.memory_space<semaphore_mem>>
      %dma_start3A_93 = arith.constant 0 : i32
      %dma_start3A_94 = tpu.memref_slice %arg5[%run_scoped3A_7, %dma_start3A_93] : memref<4x128xi32, #tpu.memory_space<vmem>> -> memref<1x128xi32, #tpu.memory_space<vmem>>
      %dma_start3A_95 = tpu.memref_squeeze %dma_start3A_94 : memref<1x128xi32, #tpu.memory_space<vmem>> -> memref<128xi32, #tpu.memory_space<vmem>>
      %dma_start3A_96 = tpu.memref_slice %arg2[%add3A_6] : memref<16384xi32, #tpu.memory_space<hbm>> -> memref<128xi32, #tpu.memory_space<hbm>>
      %dma_start3A_97 = arith.constant 0 : i32
      %dma_start3A_98 = tpu.memref_slice %arg5[%run_scoped3A_7, %dma_start3A_97] : memref<4x128xi32, #tpu.memory_space<vmem>> -> memref<1x128xi32, #tpu.memory_space<vmem>>
      %dma_start3A_99 = tpu.memref_squeeze %dma_start3A_98 : memref<1x128xi32, #tpu.memory_space<vmem>> -> memref<128xi32, #tpu.memory_space<vmem>>
      %dma_start3A_100 = tpu.memref_slice %arg2[%add3A_6] : memref<16384xi32, #tpu.memory_space<hbm>> -> memref<128xi32, #tpu.memory_space<hbm>>
      tpu.enqueue_dma source(%dma_start3A_100 : memref<128xi32, #tpu.memory_space<hbm>>) target(%dma_start3A_99 : memref<128xi32, #tpu.memory_space<vmem>>) target_semaphore(%run_scoped3A_92 : memref<!tpu.dma_semaphore, #tpu.memory_space<semaphore_mem>>)
      %dma_wait3A_101 = arith.constant 0 : i32
      %dma_wait3A_102 = tpu.memref_slice %arg5[%run_scoped3A_7, %dma_wait3A_101] : memref<4x128xi32, #tpu.memory_space<vmem>> -> memref<1x128xi32, #tpu.memory_space<vmem>>
      %dma_wait3A_103 = tpu.memref_squeeze %dma_wait3A_102 : memref<1x128xi32, #tpu.memory_space<vmem>> -> memref<128xi32, #tpu.memory_space<vmem>>
      %dma_wait3A_104 = tpu.memref_slice %arg2[%add3A_6] : memref<16384xi32, #tpu.memory_space<hbm>> -> memref<128xi32, #tpu.memory_space<hbm>>
      %dma_wait3A_105 = arith.constant 0 : i32
      %dma_wait3A_106 = tpu.memref_slice %arg5[%run_scoped3A_7, %dma_wait3A_105] : memref<4x128xi32, #tpu.memory_space<vmem>> -> memref<1x128xi32, #tpu.memory_space<vmem>>
      %dma_wait3A_107 = tpu.memref_squeeze %dma_wait3A_106 : memref<1x128xi32, #tpu.memory_space<vmem>> -> memref<128xi32, #tpu.memory_space<vmem>>
      %dma_wait3A_108 = tpu.memref_slice %arg2[%add3A_6] : memref<16384xi32, #tpu.memory_space<hbm>> -> memref<128xi32, #tpu.memory_space<hbm>>
      tpu.wait_dma2 semaphore(%run_scoped3A_92 : memref<!tpu.dma_semaphore, #tpu.memory_space<semaphore_mem>>) src(%dma_wait3A_108 : memref<128xi32, #tpu.memory_space<hbm>>) dst(%dma_wait3A_107 : memref<128xi32, #tpu.memory_space<vmem>>)
      tpu.yield
    }) : () -> ()
    %add3A_8 = arith.constant 256 : i32
    %add3A_9 = arith.addi %mul3A_2, %add3A_8 : i32
    %run_scoped3A_10 = arith.constant 2 : i32
    "tpu.region"() ({
      %run_scoped3A_92 = tpu.sem_alloc : memref<!tpu.dma_semaphore, #tpu.memory_space<semaphore_mem>>
      %dma_start3A_93 = arith.constant 0 : i32
      %dma_start3A_94 = tpu.memref_slice %arg5[%run_scoped3A_10, %dma_start3A_93] : memref<4x128xi32, #tpu.memory_space<vmem>> -> memref<1x128xi32, #tpu.memory_space<vmem>>
      %dma_start3A_95 = tpu.memref_squeeze %dma_start3A_94 : memref<1x128xi32, #tpu.memory_space<vmem>> -> memref<128xi32, #tpu.memory_space<vmem>>
      %dma_start3A_96 = tpu.memref_slice %arg2[%add3A_9] : memref<16384xi32, #tpu.memory_space<hbm>> -> memref<128xi32, #tpu.memory_space<hbm>>
      %dma_start3A_97 = arith.constant 0 : i32
      %dma_start3A_98 = tpu.memref_slice %arg5[%run_scoped3A_10, %dma_start3A_97] : memref<4x128xi32, #tpu.memory_space<vmem>> -> memref<1x128xi32, #tpu.memory_space<vmem>>
      %dma_start3A_99 = tpu.memref_squeeze %dma_start3A_98 : memref<1x128xi32, #tpu.memory_space<vmem>> -> memref<128xi32, #tpu.memory_space<vmem>>
      %dma_start3A_100 = tpu.memref_slice %arg2[%add3A_9] : memref<16384xi32, #tpu.memory_space<hbm>> -> memref<128xi32, #tpu.memory_space<hbm>>
      tpu.enqueue_dma source(%dma_start3A_100 : memref<128xi32, #tpu.memory_space<hbm>>) target(%dma_start3A_99 : memref<128xi32, #tpu.memory_space<vmem>>) target_semaphore(%run_scoped3A_92 : memref<!tpu.dma_semaphore, #tpu.memory_space<semaphore_mem>>)
      %dma_wait3A_101 = arith.constant 0 : i32
      %dma_wait3A_102 = tpu.memref_slice %arg5[%run_scoped3A_10, %dma_wait3A_101] : memref<4x128xi32, #tpu.memory_space<vmem>> -> memref<1x128xi32, #tpu.memory_space<vmem>>
      %dma_wait3A_103 = tpu.memref_squeeze %dma_wait3A_102 : memref<1x128xi32, #tpu.memory_space<vmem>> -> memref<128xi32, #tpu.memory_space<vmem>>
      %dma_wait3A_104 = tpu.memref_slice %arg2[%add3A_9] : memref<16384xi32, #tpu.memory_space<hbm>> -> memref<128xi32, #tpu.memory_space<hbm>>
      %dma_wait3A_105 = arith.constant 0 : i32
      %dma_wait3A_106 = tpu.memref_slice %arg5[%run_scoped3A_10, %dma_wait3A_105] : memref<4x128xi32, #tpu.memory_space<vmem>> -> memref<1x128xi32, #tpu.memory_space<vmem>>
      %dma_wait3A_107 = tpu.memref_squeeze %dma_wait3A_106 : memref<1x128xi32, #tpu.memory_space<vmem>> -> memref<128xi32, #tpu.memory_space<vmem>>
      %dma_wait3A_108 = tpu.memref_slice %arg2[%add3A_9] : memref<16384xi32, #tpu.memory_space<hbm>> -> memref<128xi32, #tpu.memory_space<hbm>>
      tpu.wait_dma2 semaphore(%run_scoped3A_92 : memref<!tpu.dma_semaphore, #tpu.memory_space<semaphore_mem>>) src(%dma_wait3A_108 : memref<128xi32, #tpu.memory_space<hbm>>) dst(%dma_wait3A_107 : memref<128xi32, #tpu.memory_space<vmem>>)
      tpu.yield
    }) : () -> ()
    %add3A_11 = arith.constant 384 : i32
    %add3A_12 = arith.addi %mul3A_2, %add3A_11 : i32
    %run_scoped3A_13 = arith.constant 3 : i32
    "tpu.region"() ({
      %run_scoped3A_92 = tpu.sem_alloc : memref<!tpu.dma_semaphore, #tpu.memory_space<semaphore_mem>>
      %dma_start3A_93 = arith.constant 0 : i32
      %dma_start3A_94 = tpu.memref_slice %arg5[%run_scoped3A_13, %dma_start3A_93] : memref<4x128xi32, #tpu.memory_space<vmem>> -> memref<1x128xi32, #tpu.memory_space<vmem>>
      %dma_start3A_95 = tpu.memref_squeeze %dma_start3A_94 : memref<1x128xi32, #tpu.memory_space<vmem>> -> memref<128xi32, #tpu.memory_space<vmem>>
      %dma_start3A_96 = tpu.memref_slice %arg2[%add3A_12] : memref<16384xi32, #tpu.memory_space<hbm>> -> memref<128xi32, #tpu.memory_space<hbm>>
      %dma_start3A_97 = arith.constant 0 : i32
      %dma_start3A_98 = tpu.memref_slice %arg5[%run_scoped3A_13, %dma_start3A_97] : memref<4x128xi32, #tpu.memory_space<vmem>> -> memref<1x128xi32, #tpu.memory_space<vmem>>
      %dma_start3A_99 = tpu.memref_squeeze %dma_start3A_98 : memref<1x128xi32, #tpu.memory_space<vmem>> -> memref<128xi32, #tpu.memory_space<vmem>>
      %dma_start3A_100 = tpu.memref_slice %arg2[%add3A_12] : memref<16384xi32, #tpu.memory_space<hbm>> -> memref<128xi32, #tpu.memory_space<hbm>>
      tpu.enqueue_dma source(%dma_start3A_100 : memref<128xi32, #tpu.memory_space<hbm>>) target(%dma_start3A_99 : memref<128xi32, #tpu.memory_space<vmem>>) target_semaphore(%run_scoped3A_92 : memref<!tpu.dma_semaphore, #tpu.memory_space<semaphore_mem>>)
      %dma_wait3A_101 = arith.constant 0 : i32
      %dma_wait3A_102 = tpu.memref_slice %arg5[%run_scoped3A_13, %dma_wait3A_101] : memref<4x128xi32, #tpu.memory_space<vmem>> -> memref<1x128xi32, #tpu.memory_space<vmem>>
      %dma_wait3A_103 = tpu.memref_squeeze %dma_wait3A_102 : memref<1x128xi32, #tpu.memory_space<vmem>> -> memref<128xi32, #tpu.memory_space<vmem>>
      %dma_wait3A_104 = tpu.memref_slice %arg2[%add3A_12] : memref<16384xi32, #tpu.memory_space<hbm>> -> memref<128xi32, #tpu.memory_space<hbm>>
      %dma_wait3A_105 = arith.constant 0 : i32
      %dma_wait3A_106 = tpu.memref_slice %arg5[%run_scoped3A_13, %dma_wait3A_105] : memref<4x128xi32, #tpu.memory_space<vmem>> -> memref<1x128xi32, #tpu.memory_space<vmem>>
      %dma_wait3A_107 = tpu.memref_squeeze %dma_wait3A_106 : memref<1x128xi32, #tpu.memory_space<vmem>> -> memref<128xi32, #tpu.memory_space<vmem>>
      %dma_wait3A_108 = tpu.memref_slice %arg2[%add3A_12] : memref<16384xi32, #tpu.memory_space<hbm>> -> memref<128xi32, #tpu.memory_space<hbm>>
      tpu.wait_dma2 semaphore(%run_scoped3A_92 : memref<!tpu.dma_semaphore, #tpu.memory_space<semaphore_mem>>) src(%dma_wait3A_108 : memref<128xi32, #tpu.memory_space<hbm>>) dst(%dma_wait3A_107 : memref<128xi32, #tpu.memory_space<vmem>>)
      tpu.yield
    }) : () -> ()
    %dma_start3A = arith.constant 0 : i32
    %dma_start3A_14 = arith.constant 0 : i32
    %dma_start3A_15 = arith.constant 0 : i32
    %dma_start3A_16 = tpu.memref_slice %arg6[%dma_start3A_14, %dma_start3A_15] : memref<512x64xf32, #tpu.memory_space<vmem>> -> memref<128x64xf32, #tpu.memory_space<vmem>>
    %dma_start3A_17 = arith.constant 0 : i32
    %dma_start3A_18 = tpu.memref_slice %arg5[%dma_start3A, %dma_start3A_17] : memref<4x128xi32, #tpu.memory_space<vmem>> -> memref<1x128xi32, #tpu.memory_space<vmem>>
    %dma_start3A_19 = tpu.memref_squeeze %dma_start3A_18 : memref<1x128xi32, #tpu.memory_space<vmem>> -> memref<128xi32, #tpu.memory_space<vmem>>
    %dma_start3A_20 = arith.constant 0 : i32
    %dma_start3A_21 = arith.constant 0 : i32
    %dma_start3A_22 = tpu.memref_slice %arg3[%dma_start3A_20, %dma_start3A_21] : memref<1000000x64xf32, #tpu.memory_space<hbm>> -> memref<1000000x64xf32, #tpu.memory_space<hbm>>
    tpu.enqueue_indirect_dma source(%dma_start3A_22 : memref<1000000x64xf32, #tpu.memory_space<hbm>>) target(%dma_start3A_16 : memref<128x64xf32, #tpu.memory_space<vmem>>) offsets(%dma_start3A_19 : memref<128xi32, #tpu.memory_space<vmem>>) semaphore(%arg7 : memref<!tpu.dma_semaphore, #tpu.memory_space<semaphore_mem>>)
    %dma_start3A_23 = arith.constant 1 : i32
    %dma_start3A_24 = arith.constant 128 : i32
    %dma_start3A_25 = arith.constant 0 : i32
    %dma_start3A_26 = tpu.memref_slice %arg6[%dma_start3A_24, %dma_start3A_25] : memref<512x64xf32, #tpu.memory_space<vmem>> -> memref<128x64xf32, #tpu.memory_space<vmem>>
    %dma_start3A_27 = arith.constant 0 : i32
    %dma_start3A_28 = tpu.memref_slice %arg5[%dma_start3A_23, %dma_start3A_27] : memref<4x128xi32, #tpu.memory_space<vmem>> -> memref<1x128xi32, #tpu.memory_space<vmem>>
    %dma_start3A_29 = tpu.memref_squeeze %dma_start3A_28 : memref<1x128xi32, #tpu.memory_space<vmem>> -> memref<128xi32, #tpu.memory_space<vmem>>
    %dma_start3A_30 = arith.constant 0 : i32
    %dma_start3A_31 = arith.constant 0 : i32
    %dma_start3A_32 = tpu.memref_slice %arg3[%dma_start3A_30, %dma_start3A_31] : memref<1000000x64xf32, #tpu.memory_space<hbm>> -> memref<1000000x64xf32, #tpu.memory_space<hbm>>
    tpu.enqueue_indirect_dma source(%dma_start3A_32 : memref<1000000x64xf32, #tpu.memory_space<hbm>>) target(%dma_start3A_26 : memref<128x64xf32, #tpu.memory_space<vmem>>) offsets(%dma_start3A_29 : memref<128xi32, #tpu.memory_space<vmem>>) semaphore(%arg7 : memref<!tpu.dma_semaphore, #tpu.memory_space<semaphore_mem>>)
    %dma_start3A_33 = arith.constant 2 : i32
    %dma_start3A_34 = arith.constant 256 : i32
    %dma_start3A_35 = arith.constant 0 : i32
    %dma_start3A_36 = tpu.memref_slice %arg6[%dma_start3A_34, %dma_start3A_35] : memref<512x64xf32, #tpu.memory_space<vmem>> -> memref<128x64xf32, #tpu.memory_space<vmem>>
    %dma_start3A_37 = arith.constant 0 : i32
    %dma_start3A_38 = tpu.memref_slice %arg5[%dma_start3A_33, %dma_start3A_37] : memref<4x128xi32, #tpu.memory_space<vmem>> -> memref<1x128xi32, #tpu.memory_space<vmem>>
    %dma_start3A_39 = tpu.memref_squeeze %dma_start3A_38 : memref<1x128xi32, #tpu.memory_space<vmem>> -> memref<128xi32, #tpu.memory_space<vmem>>
    %dma_start3A_40 = arith.constant 0 : i32
    %dma_start3A_41 = arith.constant 0 : i32
    %dma_start3A_42 = tpu.memref_slice %arg3[%dma_start3A_40, %dma_start3A_41] : memref<1000000x64xf32, #tpu.memory_space<hbm>> -> memref<1000000x64xf32, #tpu.memory_space<hbm>>
    tpu.enqueue_indirect_dma source(%dma_start3A_42 : memref<1000000x64xf32, #tpu.memory_space<hbm>>) target(%dma_start3A_36 : memref<128x64xf32, #tpu.memory_space<vmem>>) offsets(%dma_start3A_39 : memref<128xi32, #tpu.memory_space<vmem>>) semaphore(%arg7 : memref<!tpu.dma_semaphore, #tpu.memory_space<semaphore_mem>>)
    %dma_start3A_43 = arith.constant 3 : i32
    %dma_start3A_44 = arith.constant 384 : i32
    %dma_start3A_45 = arith.constant 0 : i32
    %dma_start3A_46 = tpu.memref_slice %arg6[%dma_start3A_44, %dma_start3A_45] : memref<512x64xf32, #tpu.memory_space<vmem>> -> memref<128x64xf32, #tpu.memory_space<vmem>>
    %dma_start3A_47 = arith.constant 0 : i32
    %dma_start3A_48 = tpu.memref_slice %arg5[%dma_start3A_43, %dma_start3A_47] : memref<4x128xi32, #tpu.memory_space<vmem>> -> memref<1x128xi32, #tpu.memory_space<vmem>>
    %dma_start3A_49 = tpu.memref_squeeze %dma_start3A_48 : memref<1x128xi32, #tpu.memory_space<vmem>> -> memref<128xi32, #tpu.memory_space<vmem>>
    %dma_start3A_50 = arith.constant 0 : i32
    %dma_start3A_51 = arith.constant 0 : i32
    %dma_start3A_52 = tpu.memref_slice %arg3[%dma_start3A_50, %dma_start3A_51] : memref<1000000x64xf32, #tpu.memory_space<hbm>> -> memref<1000000x64xf32, #tpu.memory_space<hbm>>
    tpu.enqueue_indirect_dma source(%dma_start3A_52 : memref<1000000x64xf32, #tpu.memory_space<hbm>>) target(%dma_start3A_46 : memref<128x64xf32, #tpu.memory_space<vmem>>) offsets(%dma_start3A_49 : memref<128xi32, #tpu.memory_space<vmem>>) semaphore(%arg7 : memref<!tpu.dma_semaphore, #tpu.memory_space<semaphore_mem>>)
    %dma_wait3A = arith.constant 0 : i32
    %dma_wait3A_53 = arith.constant 0 : i32
    %dma_wait3A_54 = arith.constant 0 : i32
    %dma_wait3A_55 = tpu.memref_slice %arg6[%dma_wait3A_53, %dma_wait3A_54] : memref<512x64xf32, #tpu.memory_space<vmem>> -> memref<128x64xf32, #tpu.memory_space<vmem>>
    %dma_wait3A_56 = arith.constant 0 : i32
    %dma_wait3A_57 = tpu.memref_slice %arg5[%dma_wait3A, %dma_wait3A_56] : memref<4x128xi32, #tpu.memory_space<vmem>> -> memref<1x128xi32, #tpu.memory_space<vmem>>
    %dma_wait3A_58 = tpu.memref_squeeze %dma_wait3A_57 : memref<1x128xi32, #tpu.memory_space<vmem>> -> memref<128xi32, #tpu.memory_space<vmem>>
    %dma_wait3A_59 = arith.constant 0 : i32
    %dma_wait3A_60 = arith.constant 0 : i32
    %dma_wait3A_61 = tpu.memref_slice %arg3[%dma_wait3A_59, %dma_wait3A_60] : memref<1000000x64xf32, #tpu.memory_space<hbm>> -> memref<1000000x64xf32, #tpu.memory_space<hbm>>
    tpu.wait_indirect_dma semaphore(%arg7 : memref<!tpu.dma_semaphore, #tpu.memory_space<semaphore_mem>>) src(%dma_wait3A_61 : memref<1000000x64xf32, #tpu.memory_space<hbm>>) dst(%dma_wait3A_55 : memref<128x64xf32, #tpu.memory_space<vmem>>)
    %dma_wait3A_62 = arith.constant 1 : i32
    %dma_wait3A_63 = arith.constant 128 : i32
    %dma_wait3A_64 = arith.constant 0 : i32
    %dma_wait3A_65 = tpu.memref_slice %arg6[%dma_wait3A_63, %dma_wait3A_64] : memref<512x64xf32, #tpu.memory_space<vmem>> -> memref<128x64xf32, #tpu.memory_space<vmem>>
    %dma_wait3A_66 = arith.constant 0 : i32
    %dma_wait3A_67 = tpu.memref_slice %arg5[%dma_wait3A_62, %dma_wait3A_66] : memref<4x128xi32, #tpu.memory_space<vmem>> -> memref<1x128xi32, #tpu.memory_space<vmem>>
    %dma_wait3A_68 = tpu.memref_squeeze %dma_wait3A_67 : memref<1x128xi32, #tpu.memory_space<vmem>> -> memref<128xi32, #tpu.memory_space<vmem>>
    %dma_wait3A_69 = arith.constant 0 : i32
    %dma_wait3A_70 = arith.constant 0 : i32
    %dma_wait3A_71 = tpu.memref_slice %arg3[%dma_wait3A_69, %dma_wait3A_70] : memref<1000000x64xf32, #tpu.memory_space<hbm>> -> memref<1000000x64xf32, #tpu.memory_space<hbm>>
    tpu.wait_indirect_dma semaphore(%arg7 : memref<!tpu.dma_semaphore, #tpu.memory_space<semaphore_mem>>) src(%dma_wait3A_71 : memref<1000000x64xf32, #tpu.memory_space<hbm>>) dst(%dma_wait3A_65 : memref<128x64xf32, #tpu.memory_space<vmem>>)
    %dma_wait3A_72 = arith.constant 2 : i32
    %dma_wait3A_73 = arith.constant 256 : i32
    %dma_wait3A_74 = arith.constant 0 : i32
    %dma_wait3A_75 = tpu.memref_slice %arg6[%dma_wait3A_73, %dma_wait3A_74] : memref<512x64xf32, #tpu.memory_space<vmem>> -> memref<128x64xf32, #tpu.memory_space<vmem>>
    %dma_wait3A_76 = arith.constant 0 : i32
    %dma_wait3A_77 = tpu.memref_slice %arg5[%dma_wait3A_72, %dma_wait3A_76] : memref<4x128xi32, #tpu.memory_space<vmem>> -> memref<1x128xi32, #tpu.memory_space<vmem>>
    %dma_wait3A_78 = tpu.memref_squeeze %dma_wait3A_77 : memref<1x128xi32, #tpu.memory_space<vmem>> -> memref<128xi32, #tpu.memory_space<vmem>>
    %dma_wait3A_79 = arith.constant 0 : i32
    %dma_wait3A_80 = arith.constant 0 : i32
    %dma_wait3A_81 = tpu.memref_slice %arg3[%dma_wait3A_79, %dma_wait3A_80] : memref<1000000x64xf32, #tpu.memory_space<hbm>> -> memref<1000000x64xf32, #tpu.memory_space<hbm>>
    tpu.wait_indirect_dma semaphore(%arg7 : memref<!tpu.dma_semaphore, #tpu.memory_space<semaphore_mem>>) src(%dma_wait3A_81 : memref<1000000x64xf32, #tpu.memory_space<hbm>>) dst(%dma_wait3A_75 : memref<128x64xf32, #tpu.memory_space<vmem>>)
    %dma_wait3A_82 = arith.constant 3 : i32
    %dma_wait3A_83 = arith.constant 384 : i32
    %dma_wait3A_84 = arith.constant 0 : i32
    %dma_wait3A_85 = tpu.memref_slice %arg6[%dma_wait3A_83, %dma_wait3A_84] : memref<512x64xf32, #tpu.memory_space<vmem>> -> memref<128x64xf32, #tpu.memory_space<vmem>>
    %dma_wait3A_86 = arith.constant 0 : i32
    %dma_wait3A_87 = tpu.memref_slice %arg5[%dma_wait3A_82, %dma_wait3A_86] : memref<4x128xi32, #tpu.memory_space<vmem>> -> memref<1x128xi32, #tpu.memory_space<vmem>>
    %dma_wait3A_88 = tpu.memref_squeeze %dma_wait3A_87 : memref<1x128xi32, #tpu.memory_space<vmem>> -> memref<128xi32, #tpu.memory_space<vmem>>
    %dma_wait3A_89 = arith.constant 0 : i32
    %dma_wait3A_90 = arith.constant 0 : i32
    %dma_wait3A_91 = tpu.memref_slice %arg3[%dma_wait3A_89, %dma_wait3A_90] : memref<1000000x64xf32, #tpu.memory_space<hbm>> -> memref<1000000x64xf32, #tpu.memory_space<hbm>>
    tpu.wait_indirect_dma semaphore(%arg7 : memref<!tpu.dma_semaphore, #tpu.memory_space<semaphore_mem>>) src(%dma_wait3A_91 : memref<1000000x64xf32, #tpu.memory_space<hbm>>) dst(%dma_wait3A_85 : memref<128x64xf32, #tpu.memory_space<vmem>>)
    "tpu.region"() ({
      %run_scoped3A_92 = tpu.sem_alloc : memref<!tpu.dma_semaphore, #tpu.memory_space<semaphore_mem>>
      %dma_start3A_93 = arith.constant 0 : i32
      %dma_start3A_94 = tpu.memref_slice %arg4[%mul3A_2, %dma_start3A_93] : memref<16384x64xf32, #tpu.memory_space<hbm>> -> memref<512x64xf32, #tpu.memory_space<hbm>>
      %dma_start3A_95 = arith.constant 0 : i32
      %dma_start3A_96 = tpu.memref_slice %arg4[%mul3A_2, %dma_start3A_95] : memref<16384x64xf32, #tpu.memory_space<hbm>> -> memref<512x64xf32, #tpu.memory_space<hbm>>
      tpu.enqueue_dma source(%arg6 : memref<512x64xf32, #tpu.memory_space<vmem>>) target(%dma_start3A_96 : memref<512x64xf32, #tpu.memory_space<hbm>>) target_semaphore(%run_scoped3A_92 : memref<!tpu.dma_semaphore, #tpu.memory_space<semaphore_mem>>)
      %dma_wait3A_97 = arith.constant 0 : i32
      %dma_wait3A_98 = tpu.memref_slice %arg4[%mul3A_2, %dma_wait3A_97] : memref<16384x64xf32, #tpu.memory_space<hbm>> -> memref<512x64xf32, #tpu.memory_space<hbm>>
      %dma_wait3A_99 = arith.constant 0 : i32
      %dma_wait3A_100 = tpu.memref_slice %arg4[%mul3A_2, %dma_wait3A_99] : memref<16384x64xf32, #tpu.memory_space<hbm>> -> memref<512x64xf32, #tpu.memory_space<hbm>>
      tpu.wait_dma2 semaphore(%run_scoped3A_92 : memref<!tpu.dma_semaphore, #tpu.memory_space<semaphore_mem>>) src(%arg6 : memref<512x64xf32, #tpu.memory_space<vmem>>) dst(%dma_wait3A_100 : memref<512x64xf32, #tpu.memory_space<hbm>>)
      tpu.yield
    }) : () -> ()
    return
  }
}

</mosaic_0001>

<sc_bundles>
// kernel: kernel.4.cloned.1.call-start
scs
__scs_entry_jumppad:
0x0: {  	(pc) =	sbr.rel $0x88, $3  }
0x1: {  	(tag) =	ssettag $0x0;
	lr =	simm.s32 $0x1  }
0x2: {  	[smem:$0x3F9D] =	sst lr;
	_ =	strace $0xD0000000  }
0x3: {  	_ = 	snop  }
0x4: {  	_ = 	snop  }
0x5: {  	_ = 	snop  }
0x6: {  	_ = 	snop  }
0x7: {  	_ = 	snop  }
__scs_overlays_trampoline_lowered:
0x8: {  	[smem:$0x3FAC] =	sst s0  }
0x9: {  	[smem:$0x3FAD] =	sst s1  }
0xa: {  	[smem:$0x3FAE] =	sst s2  }
0xb: {  	[smem:$0x3FAF] =	sst s3  }
0xc: {  	[smem:$0x3FB0] =	sst s4  }
0xd: {  	[smem:$0x3FB1] =	sst s5  }
0xe: {  	[smem:$0x3FB2] =	sst s6  }
0xf: {  	[smem:$0x3FB3] =	sst s7  }
0x10: {  	[smem:$0x3FB4] =	sst s8  }
0x11: {  	[smem:$0x3FB5] =	sst s9;
	s0 =	simm.s32 @!p0 $0x0  }
0x12: {  	s1 =	sld [smem:$0x3F9B];
	s0 =	simm.s32 @p0 $0x1  }
0x13: {  	[smem:$0x3FB6] =	sst s0;
	s0 =	simm.s32 @!p1 $0x0  }
0x14: {  	s2 =	sld [smem:$0x3F9A];
	s0 =	simm.s32 @p1 $0x1  }
0x15: {  	[smem:$0x3FB7] =	sst s0;
	s0 =	simm.s32 @!p2 $0x0  }
0x16: {  	s3 =	sld [smem:$0x3FDB];
	s0 =	simm.s32 @p2 $0x1  }
0x17: {  	s4 =	simm.s32 $0x1BF5;
	[smem:$0x3FB9] =	sst s0  }
0x18: {  	s0 =	sld [smem:$0x3F9C];
	_ =	swait.ge [sflag:s4], $0x0  }
0x19: {  	s7 =	sld [smem:$0x3F9D]  }
0x1a: {  	s8 =	sadd.s32 $0xFFFFE003, lr  }
0x1b: {  	s9 =	sadd.s32 $0xFFFFFEF7, lr;
	s5 =	simm.s32 $0xFFFFFFFF;
	p2 =	slt.u32 s8, $0xFFFFF086  }
0x1c: {  	p1 =	slt.u32 s9, $0xF7A;
	s5 =	simm.s32 @!p2 $0x0  }
0x1d: {  	s5 =	simm.s32 @p1 $0x1;
	p0 =	seq.s32 s7, s2  }
0x1e: {  	s7 =	smul.u32 @!p0 $0xF7A, s2;
	p2 =	seq.s32 @!p0 s5, $0x0  }
0x1f: {  	s9 =	smul.u32 $0xF7A, s1;
	s8 =	simm.s32 @!p0 $0x1BF5;
	p2 =	por !p2, p0  }
0x20: {  	[sflag:s8] =	ssyncset.s32 @!p0 $0xFFFFF086;
	s6 =	sadd.s32 @!p0 s3, s7;
	s7 =	simm.s32 @!p0 $0x108  }
0x21: {  	s3 =	sadd.s32 s3, s9;
	s6 =	sadd.s32 @!p0 $0x88, s6;
	s7 =	simm.s32 @p2 $0x1082  }
0x22: {  	[simem:s7], [sflag:s8] =	dma.local @!p0 [hbm:s6], $0xF7A  }
0x23: {  	s9 =	sor.u32 $0xD0000000, s2;
	s6 =	simm.s32 $0x108;
	_ =	swait.ge @!p0 [sflag:s8], $0x0  }
0x24: {  	s3 =	sadd.s32 $0x88, s3;
	s6 =	simm.s32 @!p1 $0x1082;
	[sflag:s4] =	ssyncset.s32 $0xFFFFF086  }
0x25: {  	[simem:s6], [sflag:s4] =	dma.local [hbm:s3], $0xF7A  }
0x26: {  	[smem:$0x3F9D] =	sst s1;
	(tag) =	ssettag s2;
	_ =	strace s9  }
0x27: {  	s1 =	sld [smem:$0x3FAD]  }
0x28: {  	s2 =	sld [smem:$0x3FAE]  }
0x29: {  	s4 =	sld [smem:$0x3FB0]  }
0x2a: {  	p0 =	seq.s32 s5, $0x0;
	s5 =	sld [smem:$0x3FB1]  }
0x2b: {  	s6 =	sld [smem:$0x3FB2]  }
0x2c: {  	s7 =	sld [smem:$0x3FB3]  }
0x2d: {  	s3 =	simm.s32 $0x108;
	s8 =	sld [smem:$0x3FB4]  }
0x2e: {  	s3 =	simm.s32 @!p0 $0x1082;
	s9 =	sld [smem:$0x3FB5]  }
0x2f: {  	lr =	sadd.s32 s0, s3;
	s0 =	sld [smem:$0x3FAC]  }
0x30: {  	s3 =	sld [smem:$0x3FAF]  }
0x31: {  	[smem:$0x3FB8] =	sst s10  }
0x32: {  	s10 =	sld [smem:$0x3FB6];
	_ =	sdelay $0x3  }
0x33: {  	p0 =	seq.s32 s10, $0x1;
	s10 =	sld [smem:$0x3FB8];
	_ =	sdelay $0x3  }
0x34: {  	[smem:$0x3FB8] =	sst s10  }
0x35: {  	s10 =	sld [smem:$0x3FB7];
	_ =	sdelay $0x3  }
0x36: {  	p1 =	seq.s32 s10, $0x1;
	s10 =	sld [smem:$0x3FB8];
	_ =	sdelay $0x3  }
0x37: {  	[smem:$0x3FB8] =	sst s10  }
0x38: {  	s10 =	sld [smem:$0x3FB9]  }
0x39: {  	_ = 	snop;
	(pc) =	sbr.ind lr, $3  }
0x3a: {  	_ = 	snop  }
0x3b: {  	_ = 	snop  }
0x3c: {  	p2 =	seq.s32 s10, $0x1;
	s10 =	sld [smem:$0x3FB8]  }
0x3d: {  	_ =	shalt  }
0x3e: {  	_ =	shalt  }
0x3f: {  	_ =	shalt  }
0x40: {  	_ =	shalt  }
0x41: {  	_ =	shalt  }
0x42: {  	_ =	shalt  }
0x43: {  	_ =	shalt  }
0x44: {  	_ =	shalt  }
0x45: {  	_ =	shalt  }
0x46: {  	_ =	shalt  }
0x47: {  	_ =	shalt  }
0x48: {  	_ =	shalt  }
0x49: {  	_ =	shalt  }
0x4a: {  	_ =	shalt  }
0x4b: {  	_ =	shalt  }
0x4c: {  	_ =	shalt  }
0x4d: {  	_ =	shalt  }
0x4e: {  	_ =	shalt  }
0x4f: {  	_ =	shalt  }
0x50: {  	_ =	shalt  }
0x51: {  	_ =	shalt  }
0x52: {  	_ =	shalt  }
0x53: {  	_ =	shalt  }
0x54: {  	_ =	shalt  }
0x55: {  	_ =	shalt  }
0x56: {  	_ =	shalt  }
0x57: {  	_ =	shalt  }
0x58: {  	_ =	shalt  }
0x59: {  	_ =	shalt  }
0x5a: {  	_ =	shalt  }
0x5b: {  	_ =	shalt  }
0x5c: {  	_ =	shalt  }
0x5d: {  	_ =	shalt  }
0x5e: {  	_ =	shalt  }
0x5f: {  	_ =	shalt  }
0x60: {  	_ =	shalt  }
0x61: {  	_ =	shalt  }
0x62: {  	_ =	shalt  }
0x63: {  	_ =	shalt  }
0x64: {  	_ =	shalt  }
0x65: {  	_ =	shalt  }
0x66: {  	_ =	shalt  }
0x67: {  	_ =	shalt  }
0x68: {  	_ =	shalt  }
0x69: {  	_ =	shalt  }
0x6a: {  	_ =	shalt  }
0x6b: {  	_ =	shalt  }
0x6c: {  	_ =	shalt  }
0x6d: {  	_ =	shalt  }
0x6e: {  	_ =	shalt  }
0x6f: {  	_ =	shalt  }
0x70: {  	_ =	shalt  }
0x71: {  	_ =	shalt  }
0x72: {  	_ =	shalt  }
0x73: {  	_ =	shalt  }
0x74: {  	_ =	shalt  }
0x75: {  	_ =	shalt  }
0x76: {  	_ =	shalt  }
0x77: {  	_ =	shalt  }
0x78: {  	_ =	shalt  }
0x79: {  	_ =	shalt  }
0x7a: {  	_ =	shalt  }
0x7b: {  	_ =	shalt  }
0x7c: {  	_ =	shalt  }
0x7d: {  	_ =	shalt  }
0x7e: {  	_ =	shalt  }
0x7f: {  	_ =	shalt  }
0x80: {  	_ =	shalt  }
0x81: {  	_ =	shalt  }
0x82: {  	_ =	shalt  }
0x83: {  	_ =	shalt  }
0x84: {  	_ =	shalt  }
0x85: {  	_ =	shalt  }
0x86: {  	_ =	shalt  }
0x87: {  	_ =	shalt  }
.Lfunc_end0:
.L_simem_size_0:
called_computation_lowered:
.L_overlay_start_0:
0x88: {  	s2 =	sld [smem:$0x3FD9]  }
0x89: {  	s3 =	sld [smem:$0x3FFE];
	_ =	sdelay $0x1  }
0x8a: {  	s1 =	srdreg.scid  }
0x8b: {  	s0 =	sand.u32 $0x1, s1  }
0x8c: {  	s17 =	sshll.u32 s0, $0xA;
	s2 =	sadd.s32 s3, s2  }
0x8d: {  	s2 =	sadd.s32 s2, s17  }
0x8e: {  	[smem:$0x3FC4] =	sst s2  }
0x8f: {  	_ = 	snop  }
0x90: {  	s2 =	sld [smem:$0x3FC9];
	(tm) =	ssettm $0x1  }
0x91: {  	s18 =	sld [smem:$0x3FFB];
	_ =	sdelay $0x3  }
0x92: {  	_ =	strace s18  }
0x93: {  	s3 =	sld [smem:$0x3FFC];
	_ =	sdelay $0x3  }
0x94: {  	_ =	strace s3  }
0x95: {  	s3 =	sld [smem:$0x3FFD];
	_ =	sdelay $0x3  }
0x96: {  	_ =	strace s3  }
0x97: {  	_ =	strace $0x8FFFFFFF  }
0x98: {  	s19 =	sld [smem:$0x3FDB];
	_ =	sdelay $0x1  }
0x99: {  	s4 =	simm.s32 $_scs_section_size  }
0x9a: {  	s5 =	simm.s32 $_size__tile_overlayer_lowered;
	s6 =	simm.s32 $_tile_overlayer_lowered  }
0x9b: {  	s22 =	simm.s32 $0x1BFF;
	s21 =	sshll.u32 s6, $0x1;
	s3 =	sadd.s32 s4, s19  }
0x9c: {  	s7 =	simm.s32 $0x0;
	s20 =	sshll.u32 s5, $0x1;
	s5 =	sadd.s32 s21, s3  }
0x9d: {  	[timem:s7], [sflag:s22] =	dma.local [hbm:s5], s20  }
0x9e: {  	_ =	swait.ge [sflag:s22], s20  }
0x9f: {  	s4 =	ssub.s32 $0x0, s20;
	[sflag:s22] =	ssyncset.done $0x0  }
0xa0: {  	[sflag:s22] =	ssyncadd.s32 s4;
	_ =	sdelay $0x1  }
0xa1: {  	s23 =	simm.s32 $0x1B8B  }
0xa2: {  	_ =	swait.ge [sflag:s23], $0x1  }
0xa3: {  	[sflag:s23] =	ssyncset.done $0x0  }
0xa4: {  	s25 =	simm.s32 $0x1B8E;
	s24 =	sld [smem:$0x3FFE];
	[sflag:s23] =	ssyncadd.s32 $0xFFFFFFFF  }
0xa5: {  	s26 =	simm.s32 $execute0_lowered;
	[smem:$0x3FD2] =	sst s25  }
0xa6: {  	s5 =	sshll.u32 s26, $0x1;
	_ =	strace $0x80000046;
	[dreg:$0x1] =	wrdreg $0xFFFFFFFF  }
0xa7: {  	s28 =	simm.s32 $_size_execute0_lowered;
	s3 =	sadd.s32 s3, s5;
	[dreg:$0x0] =	wrdreg $0x0  }
0xa8: {  	s5 =	sshll.u32 s28, $0x1;
	[dreg:$0x2] =	wrdreg s3  }
0xa9: {  	[dreg:$0x3] =	wrdreg s5  }
0xaa: {  	[dreg:$0x4] =	wrdreg $0xC0  }
0xab: {  	_ =	task [dreg:s7], $0x5FFFF  }
0xac: {  	[dreg:$0x1] =	wrdreg $0xFFFFFFFF  }
0xad: {  	[dreg:$0x0] =	wrdreg $0x60  }
0xae: {  	[dreg:$0x2] =	wrdreg s2  }
0xaf: {  	[dreg:$0x3] =	wrdreg s24  }
0xb0: {  	[dreg:$0x4] =	wrdreg $0x9  }
0xb1: {  	_ =	task.clear_ibuf [dreg:s7], $0x5FFFF;
	_ =	strace $0x90000046  }
0xb2: {  	s29 =	simm.s32 $0x9;
	_ =	strace $0x80000048  }
0xb3: {  	_ =	swait.ge [sflag:s29], $0x1  }
0xb4: {  	[sflag:s29] =	ssyncadd.s32 $0xFFFFFFFF  }
0xb5: {  	_ =	strace $0x90000048  }
0xb6: {  	_ =	sfence  }
0xb7: {  	s30 =	sld [smem:$0x0];
	_ =	sdelay $0x2  }
0xb8: {  	s31 =	sshll.u32 s1, $0xD;
	s1 =	sshrl.u32 s1, $0x2  }
0xb9: {  	s3 =	sand.u32 $0x4000, s31;
	s1 =	sadd.s32 s1, s30  }
0xba: {  	s0 =	sor.u32 s3, s0;
	s1 =	sshll.u32 s1, $0x11  }
0xbb: {  	s0 =	sor.u32 s1, s0  }
0xbc: {  	s0 =	sadd.s32 $0x8F2B, s0  }
0xbd: {  	[sflag:s0] =	ssyncadd.remote.s32 $0x1  }
0xbe: {  	_ =	sfence.sel $0xFFFF  }
0xbf: {  	[dreg:$0x0] =	wrdreg $0xFFFFFFFF;
	(pc) =	sbr.abs _section_cstart, $3  }
0xc0: {  	[dreg:$0x1] =	wrdreg $0xFFFFFFFF  }
0xc1: {  	_ =	task.clear_ibuf [dreg:s7], $0x2FFFF;
	_ =	strace $0x9FFFFFFF  }
0xc2: {  	(tm) =	ssettm $0x7FFFFFFF  }
0xc3: {  	_ =	shalt  }
tec
execute0_lowered:
.L_overlay_start_1:
0x0: {  	(tag) =	ssettag $0x1  }
0x1: {  	s1 =	srdreg.scid  }
0x2: {  	s3 =	rddreg [dreg:$0x0];
	s0 =	stileid.u32;
	s17 =	sand.u32 $0x1, s1  }
0x3: {  	s18 =	rddreg [dreg:$0x1];
	s4 =	sshll.u32 s0, $0xA;
	s5 =	sshll.u32 s17, $0x9  }
0x4: {  	s2 =	simm.s32 $0x0;
	s1 =	rddreg [dreg:$0x2];
	s19 =	sor.u32 s5, s4  }
0x5: {  	[smem:$0x7FF] =	sst s2;
	s4 =	sshrl.u32 s19, $0x3  }
0x6: {  	_ =	strace $0x80000047;
	s4 =	sadd.s32 s3, s4;
	s3 =	simm.s32 $0x2  }
0x7: {  	[tilespmem:s2], [sflag:$0x2] =	stream.linear.gather [hbm4b:s4+s2], $0x80, $0x38;
	[tilespmem:$0x8200] =	vst v63  }
0x8: {  	_ =	swait.ge [sflag:s3], $0x80  }
0x9: {  	[sflag:s3] =	ssyncset.done $0x0  }
0xa: {  	s6 =	simm.s32 $0x80;
	s5 =	sadd.s32 $0x10, s4;
	[sflag:s3] =	ssyncadd.s32 $0xFFFFFF80  }
0xb: {  	[tilespmem:s6], [sflag:$0x2] =	stream.linear.gather [hbm4b:s5+s2], $0x80, $0x38;
	[tilespmem:$0x8200] =	vst v63  }
0xc: {  	_ =	swait.ge [sflag:s3], $0x80  }
0xd: {  	[sflag:s3] =	ssyncset.done $0x0  }
0xe: {  	s8 =	simm.s32 $0x100;
	s7 =	sadd.s32 $0x20, s4;
	[sflag:s3] =	ssyncadd.s32 $0xFFFFFF80  }
0xf: {  	[tilespmem:s8], [sflag:$0x2] =	stream.linear.gather [hbm4b:s7+s2], $0x80, $0x38;
	[tilespmem:$0x8200] =	vst v63  }
0x10: {  	_ =	swait.ge [sflag:s3], $0x80  }
0x11: {  	[sflag:s3] =	ssyncset.done $0x0  }
0x12: {  	s10 =	simm.s32 $0x180;
	s9 =	sadd.s32 $0x30, s4;
	[sflag:s3] =	ssyncadd.s32 $0xFFFFFF80  }
0x13: {  	[tilespmem:s10], [sflag:$0x2] =	stream.linear.gather [hbm4b:s9+s2], $0x80, $0x38;
	[tilespmem:$0x8200] =	vst v63  }
0x14: {  	_ =	swait.ge [sflag:s3], $0x80  }
0x15: {  	[sflag:s3] =	ssyncset.done $0x0  }
0x16: {  	s12 =	simm.s32 $0x200;
	s11 =	sadd.s32 $0xF42800, s18;
	[sflag:s3] =	ssyncadd.s32 $0xFFFFFF80  }
0x17: {  	[tilespmem:s12], [sflag:$0x1] =	stream.indirect.gather [hbm4b:s11+s6], $0x40, s2, s6, $0xb8;
	[tilespmem:$0x8200] =	vst v63  }
0x18: {  	s13 =	simm.s32 $0x2200  }
0x19: {  	[tilespmem:s13], [sflag:$0x1] =	stream.indirect.gather [hbm4b:s11+s6], $0x40, s6, s6, $0xb8;
	[tilespmem:$0x8200] =	vst v63  }
0x1a: {  	s14 =	simm.s32 $0x4200  }
0x1b: {  	[tilespmem:s14], [sflag:$0x1] =	stream.indirect.gather [hbm4b:s11+s6], $0x40, s8, s6, $0xb8;
	[tilespmem:$0x8200] =	vst v63  }
0x1c: {  	s15 =	simm.s32 $0x6200;
	s16 =	simm.s32 $0x1  }
0x1d: {  	[tilespmem:s15], [sflag:$0x1] =	stream.indirect.gather [hbm4b:s11+s6], $0x40, s10, s6, $0xb8;
	[tilespmem:$0x8200] =	vst v63  }
0x1e: {  	_ =	swait.ge [sflag:s16], $0x2000  }
0x1f: {  	[sflag:s16] =	ssyncset.done $0x0  }
0x20: {  	[sflag:s16] =	ssyncadd.s32 $0xFFFFE000  }
0x21: {  	_ =	swait.ge [sflag:s16], $0x2000  }
0x22: {  	[sflag:s16] =	ssyncset.done $0x0  }
0x23: {  	s17 =	ssub.s32 $0x2, s17;
	[sflag:s16] =	ssyncadd.s32 $0xFFFFE000  }
0x24: {  	s20 =	sshrl.u32 s17, $0x1;
	_ =	swait.ge [sflag:s16], $0x2000  }
0x25: {  	s30 =	ssub.s32 s17, s20;
	[sflag:s16] =	ssyncset.done $0x0  }
0x26: {  	s31 =	smax.u32 s30, $0x1;
	[sflag:s16] =	ssyncadd.s32 $0xFFFFE000  }
0x27: {  	s19 =	sshll.u32 s19, $0x3;
	p0 =	sne.s32 s31, $0x1;
	_ =	swait.ge [sflag:s16], $0x2000  }
.Ltmp0:
0x28: {  	s18 =	sadd.s32 s19, s18;
	[sflag:s16] =	ssyncset.done $0x0;
	(pc) =	sbr.rel @!p0 .LBB2_2-.Ltmp0, $4  }
0x29: {  	s17 =	sadd.s32 $0x400, s18;
	[sflag:s16] =	ssyncadd.s32 $0xFFFFE000  }
0x2a: {  	[hbm4b:s17+s2] =	stream.linear.scatter [tilespmem:s12], [sflag:$0x2], $0x8000, $0x38;
	[tilespmem:$0x8200] =	vst v63  }
0x2b: {  	_ =	swait.ge [sflag:s3], $0x8000  }
0x2c: {  	s18 =	sadd.s32 $0xFFFFFFFF, s31;
	[sflag:s3] =	ssyncset.done $0x0  }
.LBB2_1:
0x2d: {  	p0 =	sne.s32 s18, $0x1;
	s18 =	sadd.s32 $0xFFFFFFFF, s18;
	[sflag:s3] =	ssyncadd.s32 $0xFFFF8000  }
0x2e: {  	[tilespmem:s2], [sflag:$0x2] =	stream.linear.gather [hbm4b:s4+s2], $0x80, $0x38;
	[tilespmem:$0x8200] =	vst v63  }
0x2f: {  	_ =	swait.ge [sflag:s3], $0x80  }
0x30: {  	[sflag:s3] =	ssyncset.done $0x0  }
0x31: {  	[sflag:s3] =	ssyncadd.s32 $0xFFFFFF80  }
0x32: {  	[tilespmem:s6], [sflag:$0x2] =	stream.linear.gather [hbm4b:s5+s2], $0x80, $0x38;
	[tilespmem:$0x8200] =	vst v63  }
0x33: {  	_ =	swait.ge [sflag:s3], $0x80  }
0x34: {  	[sflag:s3] =	ssyncset.done $0x0  }
0x35: {  	[sflag:s3] =	ssyncadd.s32 $0xFFFFFF80  }
0x36: {  	[tilespmem:s8], [sflag:$0x2] =	stream.linear.gather [hbm4b:s7+s2], $0x80, $0x38;
	[tilespmem:$0x8200] =	vst v63  }
0x37: {  	_ =	swait.ge [sflag:s3], $0x80  }
0x38: {  	[sflag:s3] =	ssyncset.done $0x0  }
0x39: {  	[sflag:s3] =	ssyncadd.s32 $0xFFFFFF80  }
0x3a: {  	[tilespmem:s10], [sflag:$0x2] =	stream.linear.gather [hbm4b:s9+s2], $0x80, $0x38;
	[tilespmem:$0x8200] =	vst v63  }
0x3b: {  	_ =	swait.ge [sflag:s3], $0x80  }
0x3c: {  	[sflag:s3] =	ssyncset.done $0x0  }
0x3d: {  	[sflag:s3] =	ssyncadd.s32 $0xFFFFFF80  }
0x3e: {  	[tilespmem:s12], [sflag:$0x1] =	stream.indirect.gather [hbm4b:s11+s6], $0x40, s2, s6, $0xb8;
	[tilespmem:$0x8200] =	vst v63  }
0x3f: {  	_ = 	snop  }
0x40: {  	[tilespmem:s13], [sflag:$0x1] =	stream.indirect.gather [hbm4b:s11+s6], $0x40, s6, s6, $0xb8;
	[tilespmem:$0x8200] =	vst v63  }
0x41: {  	_ = 	snop  }
0x42: {  	[tilespmem:s14], [sflag:$0x1] =	stream.indirect.gather [hbm4b:s11+s6], $0x40, s8, s6, $0xb8;
	[tilespmem:$0x8200] =	vst v63  }
0x43: {  	_ = 	snop  }
0x44: {  	[tilespmem:s15], [sflag:$0x1] =	stream.indirect.gather [hbm4b:s11+s6], $0x40, s10, s6, $0xb8;
	[tilespmem:$0x8200] =	vst v63  }
0x45: {  	_ =	swait.ge [sflag:s16], $0x2000  }
0x46: {  	[sflag:s16] =	ssyncset.done $0x0  }
0x47: {  	[sflag:s16] =	ssyncadd.s32 $0xFFFFE000  }
0x48: {  	_ =	swait.ge [sflag:s16], $0x2000  }
0x49: {  	[sflag:s16] =	ssyncset.done $0x0  }
0x4a: {  	[sflag:s16] =	ssyncadd.s32 $0xFFFFE000  }
0x4b: {  	_ =	swait.ge [sflag:s16], $0x2000  }
0x4c: {  	[sflag:s16] =	ssyncset.done $0x0  }
0x4d: {  	[sflag:s16] =	ssyncadd.s32 $0xFFFFE000  }
0x4e: {  	_ =	swait.ge [sflag:s16], $0x2000  }
.Ltmp1:
0x4f: {  	[sflag:s16] =	ssyncset.done $0x0;
	(pc) =	sbr.rel @p0 .LBB2_1-.Ltmp1, $4  }
0x50: {  	[sflag:s16] =	ssyncadd.s32 $0xFFFFE000  }
0x51: {  	[hbm4b:s17+s2] =	stream.linear.scatter [tilespmem:s12], [sflag:$0x2], $0x8000, $0x38;
	[tilespmem:$0x8200] =	vst v63  }
0x52: {  	_ =	swait.ge [sflag:s3], $0x8000  }
0x53: {  	[sflag:s3] =	ssyncset.done $0x0  }
.LBB2_2:
0x54: {  	[sflag:s3] =	ssyncadd.s32 $0xFFFF8000  }
0x55: {  	_ =	sfence.sel $0x180000  }
0x56: {  	[bflag:$0x0] =	sbarrier.arrive $0xFFFF  }
0x57: {  	p0 =	sne.s32 s0, $0x0;
	_ =	strace $0x90000047  }
0x58: {  	s0 =	sadd.s32 @!p0 $0x100000, s1;
	[bflag:$0x2] =	sbarrier.arrive $0xFFFF  }
0x59: {  	[sflag:s0] =	ssyncadd.tile.s32 @!p0 $0x1;
	_ =	shalt  }
.Lfunc_end2:
_tile_overlayer_lowered:
.L_overlay_start_2:
0x5a: {  	(tag) =	ssettag $0x2  }
0x5b: {  	s0 =	rddreg [dreg:$0x0];
	s2 =	stileid.u32  }
0x5c: {  	s1 =	rddreg [dreg:$0x1];
	p0 =	sne.s32 s2, $0x0  }
0x5d: {  	s3 =	rddreg [dreg:$0x2];
	[bflag:$0x3] =	sbarrier.arrive $0xFFFF;
	s2 =	simm.s32 @!p0 $0x1C02  }
0x5e: {  	[timem:s3], [sflag:s2] =	dma.local @!p0 [hbm:s0], s1  }
0x5f: {  	s0 =	simm.s32 @!p0 $0x2  }
0x60: {  	_ =	swait.ge @!p0 [sflag:s0], s1  }
0x61: {  	s1 =	ssub.s32 @!p0 $0x0, s1;
	[sflag:s0] =	ssyncset.done @!p0 $0x0  }
0x62: {  	[sflag:s0] =	ssyncadd.s32 @!p0 s1  }
0x63: {  	[bflag:$0x3] =	sbarrier.arrive $0xFFFF  }
0x64: {  	_ =	shalt  }

// kernel: kernel.7.cloned.1.call-start
scs
__scs_entry_jumppad:
0x0: {  	(pc) =	sbr.rel $0x88, $3  }
0x1: {  	(tag) =	ssettag $0x0;
	lr =	simm.s32 $0x1  }
0x2: {  	[smem:$0x3F9D] =	sst lr;
	_ =	strace $0xD0000000  }
0x3: {  	_ = 	snop  }
0x4: {  	_ = 	snop  }
0x5: {  	_ = 	snop  }
0x6: {  	_ = 	snop  }
0x7: {  	_ = 	snop  }
__scs_overlays_trampoline_lowered:
0x8: {  	[smem:$0x3FAC] =	sst s0  }
0x9: {  	[smem:$0x3FAD] =	sst s1  }
0xa: {  	[smem:$0x3FAE] =	sst s2  }
0xb: {  	[smem:$0x3FAF] =	sst s3  }
0xc: {  	[smem:$0x3FB0] =	sst s4  }
0xd: {  	[smem:$0x3FB1] =	sst s5  }
0xe: {  	[smem:$0x3FB2] =	sst s6  }
0xf: {  	[smem:$0x3FB3] =	sst s7  }
0x10: {  	[smem:$0x3FB4] =	sst s8  }
0x11: {  	[smem:$0x3FB5] =	sst s9;
	s0 =	simm.s32 @!p0 $0x0  }
0x12: {  	s1 =	sld [smem:$0x3F9B];
	s0 =	simm.s32 @p0 $0x1  }
0x13: {  	[smem:$0x3FB6] =	sst s0;
	s0 =	simm.s32 @!p1 $0x0  }
0x14: {  	s2 =	sld [smem:$0x3F9A];
	s0 =	simm.s32 @p1 $0x1  }
0x15: {  	[smem:$0x3FB7] =	sst s0;
	s0 =	simm.s32 @!p2 $0x0  }
0x16: {  	s3 =	sld [smem:$0x3FDB];
	s0 =	simm.s32 @p2 $0x1  }
0x17: {  	s4 =	simm.s32 $0x1BF5;
	[smem:$0x3FB9] =	sst s0  }
0x18: {  	s0 =	sld [smem:$0x3F9C];
	_ =	swait.ge [sflag:s4], $0x0  }
0x19: {  	s7 =	sld [smem:$0x3F9D]  }
0x1a: {  	s8 =	sadd.s32 $0xFFFFE003, lr  }
0x1b: {  	s9 =	sadd.s32 $0xFFFFFEF7, lr;
	s5 =	simm.s32 $0xFFFFFFFF;
	p2 =	slt.u32 s8, $0xFFFFF086  }
0x1c: {  	p1 =	slt.u32 s9, $0xF7A;
	s5 =	simm.s32 @!p2 $0x0  }
0x1d: {  	s5 =	simm.s32 @p1 $0x1;
	p0 =	seq.s32 s7, s2  }
0x1e: {  	s7 =	smul.u32 @!p0 $0xF7A, s2;
	p2 =	seq.s32 @!p0 s5, $0x0  }
0x1f: {  	s9 =	smul.u32 $0xF7A, s1;
	s8 =	simm.s32 @!p0 $0x1BF5;
	p2 =	por !p2, p0  }
0x20: {  	[sflag:s8] =	ssyncset.s32 @!p0 $0xFFFFF086;
	s6 =	sadd.s32 @!p0 s3, s7;
	s7 =	simm.s32 @!p0 $0x108  }
0x21: {  	s3 =	sadd.s32 s3, s9;
	s6 =	sadd.s32 @!p0 $0x88, s6;
	s7 =	simm.s32 @p2 $0x1082  }
0x22: {  	[simem:s7], [sflag:s8] =	dma.local @!p0 [hbm:s6], $0xF7A  }
0x23: {  	s9 =	sor.u32 $0xD0000000, s2;
	s6 =	simm.s32 $0x108;
	_ =	swait.ge @!p0 [sflag:s8], $0x0  }
0x24: {  	s3 =	sadd.s32 $0x88, s3;
	s6 =	simm.s32 @!p1 $0x1082;
	[sflag:s4] =	ssyncset.s32 $0xFFFFF086  }
0x25: {  	[simem:s6], [sflag:s4] =	dma.local [hbm:s3], $0xF7A  }
0x26: {  	[smem:$0x3F9D] =	sst s1;
	(tag) =	ssettag s2;
	_ =	strace s9  }
0x27: {  	s1 =	sld [smem:$0x3FAD]  }
0x28: {  	s2 =	sld [smem:$0x3FAE]  }
0x29: {  	s4 =	sld [smem:$0x3FB0]  }
0x2a: {  	p0 =	seq.s32 s5, $0x0;
	s5 =	sld [smem:$0x3FB1]  }
0x2b: {  	s6 =	sld [smem:$0x3FB2]  }
0x2c: {  	s7 =	sld [smem:$0x3FB3]  }
0x2d: {  	s3 =	simm.s32 $0x108;
	s8 =	sld [smem:$0x3FB4]  }
0x2e: {  	s3 =	simm.s32 @!p0 $0x1082;
	s9 =	sld [smem:$0x3FB5]  }
0x2f: {  	lr =	sadd.s32 s0, s3;
	s0 =	sld [smem:$0x3FAC]  }
0x30: {  	s3 =	sld [smem:$0x3FAF]  }
0x31: {  	[smem:$0x3FB8] =	sst s10  }
0x32: {  	s10 =	sld [smem:$0x3FB6];
	_ =	sdelay $0x3  }
0x33: {  	p0 =	seq.s32 s10, $0x1;
	s10 =	sld [smem:$0x3FB8];
	_ =	sdelay $0x3  }
0x34: {  	[smem:$0x3FB8] =	sst s10  }
0x35: {  	s10 =	sld [smem:$0x3FB7];
	_ =	sdelay $0x3  }
0x36: {  	p1 =	seq.s32 s10, $0x1;
	s10 =	sld [smem:$0x3FB8];
	_ =	sdelay $0x3  }
0x37: {  	[smem:$0x3FB8] =	sst s10  }
0x38: {  	s10 =	sld [smem:$0x3FB9]  }
0x39: {  	_ = 	snop;
	(pc) =	sbr.ind lr, $3  }
0x3a: {  	_ = 	snop  }
0x3b: {  	_ = 	snop  }
0x3c: {  	p2 =	seq.s32 s10, $0x1;
	s10 =	sld [smem:$0x3FB8]  }
0x3d: {  	_ =	shalt  }
0x3e: {  	_ =	shalt  }
0x3f: {  	_ =	shalt  }
0x40: {  	_ =	shalt  }
0x41: {  	_ =	shalt  }
0x42: {  	_ =	shalt  }
0x43: {  	_ =	shalt  }
0x44: {  	_ =	shalt  }
0x45: {  	_ =	shalt  }
0x46: {  	_ =	shalt  }
0x47: {  	_ =	shalt  }
0x48: {  	_ =	shalt  }
0x49: {  	_ =	shalt  }
0x4a: {  	_ =	shalt  }
0x4b: {  	_ =	shalt  }
0x4c: {  	_ =	shalt  }
0x4d: {  	_ =	shalt  }
0x4e: {  	_ =	shalt  }
0x4f: {  	_ =	shalt  }
0x50: {  	_ =	shalt  }
0x51: {  	_ =	shalt  }
0x52: {  	_ =	shalt  }
0x53: {  	_ =	shalt  }
0x54: {  	_ =	shalt  }
0x55: {  	_ =	shalt  }
0x56: {  	_ =	shalt  }
0x57: {  	_ =	shalt  }
0x58: {  	_ =	shalt  }
0x59: {  	_ =	shalt  }
0x5a: {  	_ =	shalt  }
0x5b: {  	_ =	shalt  }
0x5c: {  	_ =	shalt  }
0x5d: {  	_ =	shalt  }
0x5e: {  	_ =	shalt  }
0x5f: {  	_ =	shalt  }
0x60: {  	_ =	shalt  }
0x61: {  	_ =	shalt  }
0x62: {  	_ =	shalt  }
0x63: {  	_ =	shalt  }
0x64: {  	_ =	shalt  }
0x65: {  	_ =	shalt  }
0x66: {  	_ =	shalt  }
0x67: {  	_ =	shalt  }
0x68: {  	_ =	shalt  }
0x69: {  	_ =	shalt  }
0x6a: {  	_ =	shalt  }
0x6b: {  	_ =	shalt  }
0x6c: {  	_ =	shalt  }
0x6d: {  	_ =	shalt  }
0x6e: {  	_ =	shalt  }
0x6f: {  	_ =	shalt  }
0x70: {  	_ =	shalt  }
0x71: {  	_ =	shalt  }
0x72: {  	_ =	shalt  }
0x73: {  	_ =	shalt  }
0x74: {  	_ =	shalt  }
0x75: {  	_ =	shalt  }
0x76: {  	_ =	shalt  }
0x77: {  	_ =	shalt  }
0x78: {  	_ =	shalt  }
0x79: {  	_ =	shalt  }
0x7a: {  	_ =	shalt  }
0x7b: {  	_ =	shalt  }
0x7c: {  	_ =	shalt  }
0x7d: {  	_ =	shalt  }
0x7e: {  	_ =	shalt  }
0x7f: {  	_ =	shalt  }
0x80: {  	_ =	shalt  }
0x81: {  	_ =	shalt  }
0x82: {  	_ =	shalt  }
0x83: {  	_ =	shalt  }
0x84: {  	_ =	shalt  }
0x85: {  	_ =	shalt  }
0x86: {  	_ =	shalt  }
0x87: {  	_ =	shalt  }
.Lfunc_end0:
.L_simem_size_0:
called_computation.1_lowered:
.L_overlay_start_0:
0x88: {  	s2 =	sld [smem:$0x3FD9]  }
0x89: {  	s3 =	sld [smem:$0x3FFE];
	_ =	sdelay $0x1  }
0x8a: {  	s1 =	srdreg.scid  }
0x8b: {  	s0 =	sand.u32 $0x1, s1  }
0x8c: {  	s17 =	sshll.u32 s0, $0xA;
	s2 =	sadd.s32 s3, s2  }
0x8d: {  	s2 =	sadd.s32 s2, s17  }
0x8e: {  	[smem:$0x3FC4] =	sst s2  }
0x8f: {  	_ = 	snop  }
0x90: {  	s18 =	sld [smem:$0x3FC8];
	(tm) =	ssettm $0x1  }
0x91: {  	s19 =	sld [smem:$0x3FFB];
	_ =	sdelay $0x3  }
0x92: {  	_ =	strace s19  }
0x93: {  	s2 =	sld [smem:$0x3FFC];
	_ =	sdelay $0x3  }
0x94: {  	_ =	strace s2  }
0x95: {  	s2 =	sld [smem:$0x3FFD];
	_ =	sdelay $0x3  }
0x96: {  	_ =	strace s2  }
0x97: {  	_ =	strace $0x8FFFFFFF  }
0x98: {  	s20 =	sld [smem:$0x3FDB];
	_ =	sdelay $0x1  }
0x99: {  	s4 =	simm.s32 $_scs_section_size  }
0x9a: {  	s5 =	simm.s32 $_size__tile_overlayer_lowered;
	s6 =	simm.s32 $_tile_overlayer_lowered  }
0x9b: {  	s7 =	simm.s32 $0x1BFF;
	s21 =	sshll.u32 s6, $0x1;
	s4 =	sadd.s32 s4, s20  }
0x9c: {  	s22 =	simm.s32 $0x0;
	s5 =	sshll.u32 s5, $0x1;
	s6 =	sadd.s32 s21, s4  }
0x9d: {  	[timem:s22], [sflag:s7] =	dma.local [hbm:s6], s5  }
0x9e: {  	_ =	swait.ge [sflag:s7], s5  }
0x9f: {  	s5 =	ssub.s32 $0x0, s5;
	[sflag:s7] =	ssyncset.done $0x0  }
0xa0: {  	[sflag:s7] =	ssyncadd.s32 s5;
	_ =	sdelay $0x1  }
0xa1: {  	s23 =	simm.s32 $0x1B8B  }
0xa2: {  	_ =	swait.ge [sflag:s23], $0x1  }
0xa3: {  	[sflag:s23] =	ssyncset.done $0x0  }
0xa4: {  	[sflag:s23] =	ssyncadd.s32 $0xFFFFFFFF  }
0xa5: {  	s5 =	sld [smem:$0x0]  }
0xa6: {  	s6 =	sand.u32 $0xFFFFFFFE, s1  }
0xa7: {  	p0 =	sne.s32 s1, s6  }
0xa8: {  	s6 =	sshll.u32 @p0 s6, $0xE  }
0xa9: {  	s6 =	sadd.s32 @p0 $0x11B8D, s6;
	s7 =	sshll.u32 @p0 s5, $0x11  }
0xaa: {  	s6 =	sor.u32 @p0 s7, s6  }
0xab: {  	[sflag:s6] =	ssyncadd.remote.s32 @p0 $0x1;
	_ =	sdelay $0x1  }
0xac: {  	s6 =	simm.s32 @p0 $0x1B8D  }
0xad: {  	_ =	swait.eq @p0 [sflag:s6], $0x1  }
0xae: {  	[sflag:s6] =	ssyncadd.s32 @p0 $0xFFFFFFFF  }
0xaf: {  	s7 =	sshll.u32 @!p0 s1, $0xE  }
0xb0: {  	s7 =	sor.u32 @!p0 $0x4000, s7;
	s6 =	simm.s32 @!p0 $0x1B8D  }
0xb1: {  	s5 =	sshll.u32 @!p0 s5, $0x11;
	s7 =	sadd.s32 @!p0 $0x11B8D, s7;
	_ =	swait.eq @!p0 [sflag:s6], $0x1  }
0xb2: {  	s5 =	sor.u32 @!p0 s5, s7;
	[sflag:s6] =	ssyncadd.s32 @!p0 $0xFFFFFFFF  }
0xb3: {  	s25 =	simm.s32 $0x1B8E;
	s24 =	sld [smem:$0x3FFE];
	[sflag:s5] =	ssyncadd.remote.s32 @!p0 $0x1  }
0xb4: {  	s26 =	simm.s32 $execute0_lowered;
	[smem:$0x3FD2] =	sst s25  }
0xb5: {  	s6 =	sshll.u32 s26, $0x1;
	_ =	strace $0x80000049;
	[dreg:$0x1] =	wrdreg $0xFFFFFFFF  }
0xb6: {  	s28 =	simm.s32 $_size_execute0_lowered;
	s4 =	sadd.s32 s4, s6;
	[dreg:$0x0] =	wrdreg $0x0  }
0xb7: {  	s6 =	sshll.u32 s28, $0x1;
	[dreg:$0x2] =	wrdreg s4  }
0xb8: {  	[dreg:$0x3] =	wrdreg s6  }
0xb9: {  	[dreg:$0x4] =	wrdreg $0xC0  }
0xba: {  	_ =	task [dreg:s22], $0x5FFFF  }
0xbb: {  	[dreg:$0x1] =	wrdreg $0xFFFFFFFF  }
0xbc: {  	[dreg:$0x0] =	wrdreg $0x60  }
0xbd: {  	[dreg:$0x2] =	wrdreg s18  }
0xbe: {  	[dreg:$0x3] =	wrdreg s24  }
0xbf: {  	[dreg:$0x4] =	wrdreg $0xA  }
0xc0: {  	_ =	task.clear_ibuf [dreg:s22], $0x5FFFF;
	_ =	strace $0x90000049  }
0xc1: {  	s29 =	simm.s32 $0xA;
	_ =	strace $0x8000004B  }
0xc2: {  	_ =	swait.ge [sflag:s29], $0x1  }
0xc3: {  	[sflag:s29] =	ssyncadd.s32 $0xFFFFFFFF  }
0xc4: {  	_ =	strace $0x9000004B  }
0xc5: {  	_ =	sfence  }
0xc6: {  	s30 =	sld [smem:$0x0];
	_ =	sdelay $0x2  }
0xc7: {  	s31 =	sshll.u32 s1, $0xD;
	s1 =	sshrl.u32 s1, $0x2  }
0xc8: {  	s4 =	sand.u32 $0x4000, s31;
	s1 =	sadd.s32 s1, s30  }
0xc9: {  	s0 =	sor.u32 s4, s0;
	s1 =	sshll.u32 s1, $0x11  }
0xca: {  	s0 =	sor.u32 s1, s0  }
0xcb: {  	s0 =	sadd.s32 $0x8F2B, s0  }
0xcc: {  	[sflag:s0] =	ssyncadd.remote.s32 $0x1  }
0xcd: {  	_ =	sfence.sel $0xFFFF  }
0xce: {  	[dreg:$0x0] =	wrdreg $0xFFFFFFFF;
	(pc) =	sbr.abs _section_cstart, $3  }
0xcf: {  	[dreg:$0x1] =	wrdreg $0xFFFFFFFF  }
0xd0: {  	_ =	task.clear_ibuf [dreg:s22], $0x2FFFF;
	_ =	strace $0x9FFFFFFF  }
0xd1: {  	(tm) =	ssettm $0x7FFFFFFF  }
tec
execute0_lowered:
.L_overlay_start_1:
0x0: {  	(tag) =	ssettag $0x1  }
0x1: {  	s1 =	srdreg.scid  }
0x2: {  	s3 =	rddreg [dreg:$0x0];
	s0 =	stileid.u32;
	s17 =	sand.u32 $0x1, s1  }
0x3: {  	s18 =	rddreg [dreg:$0x1];
	s4 =	sshll.u32 s0, $0xA;
	s5 =	sshll.u32 s17, $0x9  }
0x4: {  	s2 =	simm.s32 $0x0;
	s1 =	rddreg [dreg:$0x2];
	s19 =	sor.u32 s5, s4  }
0x5: {  	[smem:$0x7FF] =	sst s2;
	s4 =	sshrl.u32 s19, $0x3  }
0x6: {  	_ =	strace $0x8000004A;
	s4 =	sadd.s32 s3, s4;
	s3 =	simm.s32 $0x2  }
0x7: {  	[tilespmem:s2], [sflag:$0x2] =	stream.linear.gather [hbm4b:s4+s2], $0x80, $0x38;
	[tilespmem:$0x8200] =	vst v63  }
0x8: {  	_ =	swait.ge [sflag:s3], $0x80  }
0x9: {  	[sflag:s3] =	ssyncset.done $0x0  }
0xa: {  	s6 =	simm.s32 $0x80;
	s5 =	sadd.s32 $0x10, s4;
	[sflag:s3] =	ssyncadd.s32 $0xFFFFFF80  }
0xb: {  	[tilespmem:s6], [sflag:$0x2] =	stream.linear.gather [hbm4b:s5+s2], $0x80, $0x38;
	[tilespmem:$0x8200] =	vst v63  }
0xc: {  	_ =	swait.ge [sflag:s3], $0x80  }
0xd: {  	[sflag:s3] =	ssyncset.done $0x0  }
0xe: {  	s8 =	simm.s32 $0x100;
	s7 =	sadd.s32 $0x20, s4;
	[sflag:s3] =	ssyncadd.s32 $0xFFFFFF80  }
0xf: {  	[tilespmem:s8], [sflag:$0x2] =	stream.linear.gather [hbm4b:s7+s2], $0x80, $0x38;
	[tilespmem:$0x8200] =	vst v63  }
0x10: {  	_ =	swait.ge [sflag:s3], $0x80  }
0x11: {  	[sflag:s3] =	ssyncset.done $0x0  }
0x12: {  	s10 =	simm.s32 $0x180;
	s9 =	sadd.s32 $0x30, s4;
	[sflag:s3] =	ssyncadd.s32 $0xFFFFFF80  }
0x13: {  	[tilespmem:s10], [sflag:$0x2] =	stream.linear.gather [hbm4b:s9+s2], $0x80, $0x38;
	[tilespmem:$0x8200] =	vst v63  }
0x14: {  	_ =	swait.ge [sflag:s3], $0x80  }
0x15: {  	[sflag:s3] =	ssyncset.done $0x0  }
0x16: {  	s12 =	simm.s32 $0x200;
	s11 =	sadd.s32 $0x20400, s18;
	[sflag:s3] =	ssyncadd.s32 $0xFFFFFF80  }
0x17: {  	[tilespmem:s12], [sflag:$0x1] =	stream.indirect.gather [hbm4b:s11+s6], $0x40, s2, s6, $0xb8;
	[tilespmem:$0x8200] =	vst v63  }
0x18: {  	s13 =	simm.s32 $0x2200  }
0x19: {  	[tilespmem:s13], [sflag:$0x1] =	stream.indirect.gather [hbm4b:s11+s6], $0x40, s6, s6, $0xb8;
	[tilespmem:$0x8200] =	vst v63  }
0x1a: {  	s14 =	simm.s32 $0x4200  }
0x1b: {  	[tilespmem:s14], [sflag:$0x1] =	stream.indirect.gather [hbm4b:s11+s6], $0x40, s8, s6, $0xb8;
	[tilespmem:$0x8200] =	vst v63  }
0x1c: {  	s15 =	simm.s32 $0x6200;
	s16 =	simm.s32 $0x1  }
0x1d: {  	[tilespmem:s15], [sflag:$0x1] =	stream.indirect.gather [hbm4b:s11+s6], $0x40, s10, s6, $0xb8;
	[tilespmem:$0x8200] =	vst v63  }
0x1e: {  	_ =	swait.ge [sflag:s16], $0x2000  }
0x1f: {  	[sflag:s16] =	ssyncset.done $0x0  }
0x20: {  	[sflag:s16] =	ssyncadd.s32 $0xFFFFE000  }
0x21: {  	_ =	swait.ge [sflag:s16], $0x2000  }
0x22: {  	[sflag:s16] =	ssyncset.done $0x0  }
0x23: {  	s17 =	ssub.s32 $0x2, s17;
	[sflag:s16] =	ssyncadd.s32 $0xFFFFE000  }
0x24: {  	s20 =	sshrl.u32 s17, $0x1;
	_ =	swait.ge [sflag:s16], $0x2000  }
0x25: {  	s30 =	ssub.s32 s17, s20;
	[sflag:s16] =	ssyncset.done $0x0  }
0x26: {  	s31 =	smax.u32 s30, $0x1;
	[sflag:s16] =	ssyncadd.s32 $0xFFFFE000  }
0x27: {  	s19 =	sshll.u32 s19, $0x3;
	p0 =	sne.s32 s31, $0x1;
	_ =	swait.ge [sflag:s16], $0x2000  }
.Ltmp0:
0x28: {  	s18 =	sadd.s32 s19, s18;
	[sflag:s16] =	ssyncset.done $0x0;
	(pc) =	sbr.rel @!p0 .LBB2_2-.Ltmp0, $4  }
0x29: {  	s17 =	sadd.s32 $0x7C1600, s18;
	[sflag:s16] =	ssyncadd.s32 $0xFFFFE000  }
0x2a: {  	[hbm4b:s17+s2] =	stream.linear.scatter [tilespmem:s12], [sflag:$0x2], $0x8000, $0x38;
	[tilespmem:$0x8200] =	vst v63  }
0x2b: {  	_ =	swait.ge [sflag:s3], $0x8000  }
0x2c: {  	s18 =	sadd.s32 $0xFFFFFFFF, s31;
	[sflag:s3] =	ssyncset.done $0x0  }
.LBB2_1:
0x2d: {  	p0 =	sne.s32 s18, $0x1;
	s18 =	sadd.s32 $0xFFFFFFFF, s18;
	[sflag:s3] =	ssyncadd.s32 $0xFFFF8000  }
0x2e: {  	[tilespmem:s2], [sflag:$0x2] =	stream.linear.gather [hbm4b:s4+s2], $0x80, $0x38;
	[tilespmem:$0x8200] =	vst v63  }
0x2f: {  	_ =	swait.ge [sflag:s3], $0x80  }
0x30: {  	[sflag:s3] =	ssyncset.done $0x0  }
0x31: {  	[sflag:s3] =	ssyncadd.s32 $0xFFFFFF80  }
0x32: {  	[tilespmem:s6], [sflag:$0x2] =	stream.linear.gather [hbm4b:s5+s2], $0x80, $0x38;
	[tilespmem:$0x8200] =	vst v63  }
0x33: {  	_ =	swait.ge [sflag:s3], $0x80  }
0x34: {  	[sflag:s3] =	ssyncset.done $0x0  }
0x35: {  	[sflag:s3] =	ssyncadd.s32 $0xFFFFFF80  }
0x36: {  	[tilespmem:s8], [sflag:$0x2] =	stream.linear.gather [hbm4b:s7+s2], $0x80, $0x38;
	[tilespmem:$0x8200] =	vst v63  }
0x37: {  	_ =	swait.ge [sflag:s3], $0x80  }
0x38: {  	[sflag:s3] =	ssyncset.done $0x0  }
0x39: {  	[sflag:s3] =	ssyncadd.s32 $0xFFFFFF80  }
0x3a: {  	[tilespmem:s10], [sflag:$0x2] =	stream.linear.gather [hbm4b:s9+s2], $0x80, $0x38;
	[tilespmem:$0x8200] =	vst v63  }
0x3b: {  	_ =	swait.ge [sflag:s3], $0x80  }
0x3c: {  	[sflag:s3] =	ssyncset.done $0x0  }
0x3d: {  	[sflag:s3] =	ssyncadd.s32 $0xFFFFFF80  }
0x3e: {  	[tilespmem:s12], [sflag:$0x1] =	stream.indirect.gather [hbm4b:s11+s6], $0x40, s2, s6, $0xb8;
	[tilespmem:$0x8200] =	vst v63  }
0x3f: {  	_ = 	snop  }
0x40: {  	[tilespmem:s13], [sflag:$0x1] =	stream.indirect.gather [hbm4b:s11+s6], $0x40, s6, s6, $0xb8;
	[tilespmem:$0x8200] =	vst v63  }
0x41: {  	_ = 	snop  }
0x42: {  	[tilespmem:s14], [sflag:$0x1] =	stream.indirect.gather [hbm4b:s11+s6], $0x40, s8, s6, $0xb8;
	[tilespmem:$0x8200] =	vst v63  }
0x43: {  	_ = 	snop  }
0x44: {  	[tilespmem:s15], [sflag:$0x1] =	stream.indirect.gather [hbm4b:s11+s6], $0x40, s10, s6, $0xb8;
	[tilespmem:$0x8200] =	vst v63  }
0x45: {  	_ =	swait.ge [sflag:s16], $0x2000  }
0x46: {  	[sflag:s16] =	ssyncset.done $0x0  }
0x47: {  	[sflag:s16] =	ssyncadd.s32 $0xFFFFE000  }
0x48: {  	_ =	swait.ge [sflag:s16], $0x2000  }
0x49: {  	[sflag:s16] =	ssyncset.done $0x0  }
0x4a: {  	[sflag:s16] =	ssyncadd.s32 $0xFFFFE000  }
0x4b: {  	_ =	swait.ge [sflag:s16], $0x2000  }
0x4c: {  	[sflag:s16] =	ssyncset.done $0x0  }
0x4d: {  	[sflag:s16] =	ssyncadd.s32 $0xFFFFE000  }
0x4e: {  	_ =	swait.ge [sflag:s16], $0x2000  }
.Ltmp1:
0x4f: {  	[sflag:s16] =	ssyncset.done $0x0;
	(pc) =	sbr.rel @p0 .LBB2_1-.Ltmp1, $4  }
0x50: {  	[sflag:s16] =	ssyncadd.s32 $0xFFFFE000  }
0x51: {  	[hbm4b:s17+s2] =	stream.linear.scatter [tilespmem:s12], [sflag:$0x2], $0x8000, $0x38;
	[tilespmem:$0x8200] =	vst v63  }
0x52: {  	_ =	swait.ge [sflag:s3], $0x8000  }
0x53: {  	[sflag:s3] =	ssyncset.done $0x0  }
.LBB2_2:
0x54: {  	[sflag:s3] =	ssyncadd.s32 $0xFFFF8000  }
0x55: {  	_ =	sfence.sel $0x180000  }
0x56: {  	[bflag:$0x0] =	sbarrier.arrive $0xFFFF  }
0x57: {  	p0 =	sne.s32 s0, $0x0;
	_ =	strace $0x9000004A  }
0x58: {  	s0 =	sadd.s32 @!p0 $0x100000, s1;
	[bflag:$0x2] =	sbarrier.arrive $0xFFFF  }
0x59: {  	[sflag:s0] =	ssyncadd.tile.s32 @!p0 $0x1;
	_ =	shalt  }
.Lfunc_end2:
_tile_overlayer_lowered:
.L_overlay_start_2:
0x5a: {  	(tag) =	ssettag $0x2  }
0x5b: {  	s0 =	rddreg [dreg:$0x0];
	s2 =	stileid.u32  }
0x5c: {  	s1 =	rddreg [dreg:$0x1];
	p0 =	sne.s32 s2, $0x0  }
0x5d: {  	s3 =	rddreg [dreg:$0x2];
	[bflag:$0x3] =	sbarrier.arrive $0xFFFF;
	s2 =	simm.s32 @!p0 $0x1C02  }
0x5e: {  	[timem:s3], [sflag:s2] =	dma.local @!p0 [hbm:s0], s1  }
0x5f: {  	s0 =	simm.s32 @!p0 $0x2  }
0x60: {  	_ =	swait.ge @!p0 [sflag:s0], s1  }
0x61: {  	s1 =	ssub.s32 @!p0 $0x0, s1;
	[sflag:s0] =	ssyncset.done @!p0 $0x0  }
0x62: {  	[sflag:s0] =	ssyncadd.s32 @!p0 s1  }
0x63: {  	[bflag:$0x3] =	sbarrier.arrive $0xFFFF  }
0x64: {  	_ =	shalt  }

</sc_bundles>
